<compile_context>
chip_gen: v7x
topology: tpu7x:2x2x1
jax: 0.10.2.dev20260603
libtpu: 0.0.44.dev20260713+nightly
codegen_flags: <defaults>
</compile_context>

<pallas_src>
import functools

import jax
import jax.numpy as jnp
from jax import lax
from jax.experimental import pallas as pl
from jax.experimental.pallas import tpu as pltpu
from jax.experimental.pallas import tpu_sc as plsc

_NBISECT = 6
_NREFINE = 2


def _rowsum(v):
    return jnp.sum(v, axis=1, keepdims=True)


def _loss_block(x_ref, out_ref):
    x = x_ref[...]
    m = jnp.max(x, axis=1, keepdims=True)
    xs = (x - m) * 0.5

    lo = jnp.full_like(m, -1.0)
    hi = jnp.zeros_like(m)
    for _ in range(_NBISECT):
        mid = (lo + hi) * 0.5
        r = jnp.maximum(xs - mid, 0.0)
        f = _rowsum(r * r)
        gt = f > 1.0
        lo = jnp.where(gt, mid, lo)
        hi = jnp.where(gt, hi, mid)
    tau = (lo + hi) * 0.5

    for _ in range(_NREFINE):
        mk = jnp.where(xs > tau, 1.0, 0.0)
        mxs = mk * xs
        k = _rowsum(mk)
        s1 = _rowsum(mxs)
        s2 = _rowsum(mxs * xs)
        mean = s1 / k
        delta = (1.0 - (s2 - s1 * mean)) / k
        tau = mean - jnp.sqrt(jnp.maximum(delta, 0.0))

    r = jnp.maximum(xs - tau, 0.0)
    p = r * r
    s3 = _rowsum(p * r)
    spx = _rowsum(p * x)
    loss = (1.0 - s3) * (1.0 / 0.75) + spx
    out_ref[...] = jnp.reshape(jnp.sum(loss), (1, 1, 1))


def _dense_loss(input):
    n, c = input.shape
    rows = 256 if n % 256 == 0 else n
    grid = n // rows
    partials = pl.pallas_call(
        _loss_block,
        grid=(grid,),
        in_specs=[pl.BlockSpec((rows, c), lambda i: (i, 0))],
        out_specs=pl.BlockSpec((1, 1, 1), lambda i: (i, 0, 0)),
        out_shape=jax.ShapeDtypeStruct((grid, 1, 1), jnp.float32),
        compiler_params=pltpu.CompilerParams(
            dimension_semantics=("parallel",),
        ),
    )(input)
    return jnp.sum(partials)


def _target_gather_sum(flat_x, tgt, n, c):
    info = plsc.get_sparse_core_info()
    nw = info.num_cores * info.num_subcores
    lanes = info.num_lanes
    bpw = n // nw
    nchunk = bpw // lanes
    mesh = plsc.VectorSubcoreMesh(core_axis_name="c", subcore_axis_name="s")

    @functools.partial(
        pl.kernel,
        out_type=jax.ShapeDtypeStruct((nw, lanes), jnp.float32),
        mesh=mesh,
        scratch_types=[
            pltpu.VMEM((bpw,), jnp.int32),
            pltpu.VMEM((bpw,), jnp.int32),
            pltpu.VMEM((bpw,), jnp.float32),
            pltpu.VMEM((lanes,), jnp.float32),
            pltpu.SemaphoreType.DMA,
        ],
    )
    def sc_gather(x_hbm, t_hbm, out_hbm, t_v, idx_v, val_v, acc_v, sem):
        wid = lax.axis_index("s") * info.num_cores + lax.axis_index("c")
        base = wid * bpw
        pltpu.sync_copy(t_hbm.at[pl.ds(base, bpw)], t_v)
        for j in range(nchunk):
            t16 = t_v[pl.ds(j * lanes, lanes)]
            row = base + j * lanes + lax.iota(jnp.int32, lanes)
            idx_v[pl.ds(j * lanes, lanes)] = row * c + t16
        pltpu.async_copy(x_hbm.at[idx_v], val_v, sem).wait()
        acc = jnp.zeros((lanes,), jnp.float32)
        for j in range(nchunk):
            acc = acc + val_v[pl.ds(j * lanes, lanes)]
        acc_v[...] = acc
        pltpu.sync_copy(acc_v, out_hbm.at[wid])

    return jnp.sum(sc_gather(flat_x, tgt))


def kernel(input, target):
    n, c = input.shape
    tgt = target.astype(jnp.int32)
    xt_sum = _target_gather_sum(input.reshape(n * c), tgt, n, c)
    dense = _dense_loss(input)
    return (dense - xt_sum) / float(n)

# --- scband reference (transcript-rebuilt; emitter-appended) ---
"""Pipeline reference for scband-tsallis15-loss-12421045420952 (READ-ONLY COPY).

The authoritative reference and input builder live on the scoring server;
editing this copy changes nothing except your own understanding.
"""

import jax, jax.numpy as jnp
import numpy as np


def _tsallis15(X):
    # X: [n, C], dim=1 projection onto the 1.5-Tsallis simplex
    max_val = jnp.max(X, axis=1, keepdims=True)
    Xs = (X - max_val) / 2.0
    Xsrt = -jnp.sort(-Xs, axis=1)  # descending sort
    C = Xs.shape[1]
    rho = jnp.arange(1, C + 1, dtype=Xs.dtype)[None, :]
    mean = jnp.cumsum(Xsrt, axis=1) / rho
    mean_sq = jnp.cumsum(Xsrt ** 2, axis=1) / rho
    ss = rho * (mean_sq - mean ** 2)
    delta = (1.0 - ss) / rho
    # sqrt(clamp(delta, 0)) computed safely (identical values)
    pos = delta > 0
    sqrt_delta = jnp.where(pos, jnp.sqrt(jnp.where(pos, delta, 1.0)), 0.0)
    tau = mean - sqrt_delta
    support_size = jnp.sum((tau <= Xsrt).astype(jnp.int32), axis=1, keepdims=True)
    tau_star = jnp.take_along_axis(tau, support_size - 1, axis=1)
    Y = jnp.clip(Xs - tau_star, 0.0, None) ** 2
    return Y


def setup_inputs(seed: int = 0) -> dict:
    key = jax.random.key(seed)
    k1, k2 = jax.random.split(key)
    n, C = 16384, 1000
    inp = jax.random.normal(k1, (n, C), dtype=jnp.float32)
    target = jax.random.randint(k2, (n,), 0, C, dtype=jnp.int64)
    return {"input": inp, "target": target}


def reference(input, target):
    n = input.shape[0]
    p_star = _tsallis15(input)
    # _omega_tsallis15: (1 - sum(p * sqrt(p))) / 0.75 ; use p**1.5 (same value)
    loss = (1.0 - jnp.sum(jnp.power(p_star, 1.5), axis=1)) / 0.75
    # scatter_add_(1, target, -1): subtract one-hot of target
    p_minus = p_star.at[jnp.arange(n), target].add(-1.0)
    loss = loss + jnp.sum(p_minus * input, axis=1)
    # ignore_index = -100 < 0, so size = n; reduction = elementwise_mean
    return jnp.sum(loss) / float(n)

if __name__ == "__main__":
    import jax
    _d = setup_inputs()
    print(jax.jit(kernel)(*tuple(_d.values())))

</pallas_src>

<mosaic_0001>
#map = affine_map<(d0, d1) -> (0)>
#map1 = affine_map<(d0, d1) -> (0, 0)>
module attributes {stable_mosaic.version = 14 : i64} {
  func.func @sc_gather(%arg0: i32, %arg1: i32, %arg2: memref<16384000xf32, #tpu.memory_space<hbm>>, %arg3: memref<16384xi32, #tpu.memory_space<hbm>>, %arg4: memref<32x16xf32, #tpu.memory_space<hbm>>, %arg5: memref<512xi32, #tpu.memory_space<vmem>>, %arg6: memref<512xi32, #tpu.memory_space<vmem>>, %arg7: memref<512xf32, #tpu.memory_space<vmem>>, %arg8: memref<16xf32, #tpu.memory_space<vmem>>, %arg9: memref<!tpu.dma_semaphore, #tpu.memory_space<semaphore_mem>>) attributes {dimension_semantics = [#tpu.dimension_semantics<core_parallel>, #tpu.dimension_semantics<subcore_parallel>], iteration_bounds = array<i64: 2, 16>, scalar_prefetch = 0 : i64, scratch_operands = 5 : i64, tpu.core_type = #tpu.core_type<sc_vector_subcore>, window_params = [{transform_indices = #map}, {transform_indices = #map}, {transform_indices = #map1}]} {
    %mul3A = arith.constant 2 : i32
    %mul3A_0 = arith.muli %arg1, %mul3A : i32
    %add3A = arith.addi %mul3A_0, %arg0 : i32
    %mul3A_1 = arith.constant 512 : i32
    %mul3A_2 = arith.muli %add3A, %mul3A_1 : i32
    "tpu.region"() ({
      %run_scoped3A = tpu.sem_alloc : memref<!tpu.dma_semaphore, #tpu.memory_space<semaphore_mem>>
      %dma_start3A_647 = tpu.memref_slice %arg3[%mul3A_2] : memref<16384xi32, #tpu.memory_space<hbm>> -> memref<512xi32, #tpu.memory_space<hbm>>
      %dma_start3A_648 = tpu.memref_slice %arg3[%mul3A_2] : memref<16384xi32, #tpu.memory_space<hbm>> -> memref<512xi32, #tpu.memory_space<hbm>>
      tpu.enqueue_dma source(%dma_start3A_648 : memref<512xi32, #tpu.memory_space<hbm>>) target(%arg5 : memref<512xi32, #tpu.memory_space<vmem>>) target_semaphore(%run_scoped3A : memref<!tpu.dma_semaphore, #tpu.memory_space<semaphore_mem>>)
      %dma_wait3A_649 = tpu.memref_slice %arg3[%mul3A_2] : memref<16384xi32, #tpu.memory_space<hbm>> -> memref<512xi32, #tpu.memory_space<hbm>>
      %dma_wait3A_650 = tpu.memref_slice %arg3[%mul3A_2] : memref<16384xi32, #tpu.memory_space<hbm>> -> memref<512xi32, #tpu.memory_space<hbm>>
      tpu.wait_dma2 semaphore(%run_scoped3A : memref<!tpu.dma_semaphore, #tpu.memory_space<semaphore_mem>>) src(%dma_wait3A_650 : memref<512xi32, #tpu.memory_space<hbm>>) dst(%arg5 : memref<512xi32, #tpu.memory_space<vmem>>)
      tpu.yield
    }) : () -> ()
    %get3A = arith.constant 0 : index
    %get3A_3 = tpu.vector_load %arg5[%get3A] {strides = array<i32>} : memref<512xi32, #tpu.memory_space<vmem>>, vector<16xi32>,
    %get3A_4 = vector.shape_cast %get3A_3 : vector<16xi32> to vector<16xi32>
    %add3A_5 = arith.constant 0 : i32
    %add3A_6 = arith.addi %mul3A_2, %add3A_5 : i32
    %iota3A = tpu.iota {dimensions = array<i32: 0>} : vector<16xi32>
    %add3A_7 = vector.broadcast %add3A_6 : i32 to vector<16xi32>
    %add3A_8 = arith.addi %add3A_7, %iota3A : vector<16xi32>
    %mul3A_9 = arith.constant 1000 : i32
    %mul3A_10 = vector.broadcast %mul3A_9 : i32 to vector<16xi32>
    %mul3A_11 = arith.muli %add3A_8, %mul3A_10 : vector<16xi32>
    %add3A_12 = arith.addi %mul3A_11, %get3A_4 : vector<16xi32>
    %swap3A = arith.constant 0 : index
    %swap3A_13 = tpu.vector_load %arg6[%swap3A] {strides = array<i32>} : memref<512xi32, #tpu.memory_space<vmem>>, vector<16xi32>,
    %swap3A_14 = vector.shape_cast %swap3A_13 : vector<16xi32> to vector<16xi32>
    %swap3A_15 = vector.shape_cast %add3A_12 : vector<16xi32> to vector<16xi32>
    tpu.vector_store %arg6[%swap3A], %swap3A_15 {strides = array<i32>} : memref<512xi32, #tpu.memory_space<vmem>>, vector<16xi32>,
    %get3A_16 = arith.constant 16 : index
    %get3A_17 = tpu.vector_load %arg5[%get3A_16] {strides = array<i32>} : memref<512xi32, #tpu.memory_space<vmem>>, vector<16xi32>,
    %get3A_18 = vector.shape_cast %get3A_17 : vector<16xi32> to vector<16xi32>
    %add3A_19 = arith.constant 16 : i32
    %add3A_20 = arith.addi %mul3A_2, %add3A_19 : i32
    %iota3A_21 = tpu.iota {dimensions = array<i32: 0>} : vector<16xi32>
    %add3A_22 = vector.broadcast %add3A_20 : i32 to vector<16xi32>
    %add3A_23 = arith.addi %add3A_22, %iota3A_21 : vector<16xi32>
    %mul3A_24 = arith.constant 1000 : i32
    %mul3A_25 = vector.broadcast %mul3A_24 : i32 to vector<16xi32>
    %mul3A_26 = arith.muli %add3A_23, %mul3A_25 : vector<16xi32>
    %add3A_27 = arith.addi %mul3A_26, %get3A_18 : vector<16xi32>
    %swap3A_28 = arith.constant 16 : index
    %swap3A_29 = tpu.vector_load %arg6[%swap3A_28] {strides = array<i32>} : memref<512xi32, #tpu.memory_space<vmem>>, vector<16xi32>,
    %swap3A_30 = vector.shape_cast %swap3A_29 : vector<16xi32> to vector<16xi32>
    %swap3A_31 = vector.shape_cast %add3A_27 : vector<16xi32> to vector<16xi32>
    tpu.vector_store %arg6[%swap3A_28], %swap3A_31 {strides = array<i32>} : memref<512xi32, #tpu.memory_space<vmem>>, vector<16xi32>,
    %get3A_32 = arith.constant 32 : index
    %get3A_33 = tpu.vector_load %arg5[%get3A_32] {strides = array<i32>} : memref<512xi32, #tpu.memory_space<vmem>>, vector<16xi32>,
    %get3A_34 = vector.shape_cast %get3A_33 : vector<16xi32> to vector<16xi32>
    %add3A_35 = arith.constant 32 : i32
    %add3A_36 = arith.addi %mul3A_2, %add3A_35 : i32
    %iota3A_37 = tpu.iota {dimensions = array<i32: 0>} : vector<16xi32>
    %add3A_38 = vector.broadcast %add3A_36 : i32 to vector<16xi32>
    %add3A_39 = arith.addi %add3A_38, %iota3A_37 : vector<16xi32>
    %mul3A_40 = arith.constant 1000 : i32
    %mul3A_41 = vector.broadcast %mul3A_40 : i32 to vector<16xi32>
    %mul3A_42 = arith.muli %add3A_39, %mul3A_41 : vector<16xi32>
    %add3A_43 = arith.addi %mul3A_42, %get3A_34 : vector<16xi32>
    %swap3A_44 = arith.constant 32 : index
    %swap3A_45 = tpu.vector_load %arg6[%swap3A_44] {strides = array<i32>} : memref<512xi32, #tpu.memory_space<vmem>>, vector<16xi32>,
    %swap3A_46 = vector.shape_cast %swap3A_45 : vector<16xi32> to vector<16xi32>
    %swap3A_47 = vector.shape_cast %add3A_43 : vector<16xi32> to vector<16xi32>
    tpu.vector_store %arg6[%swap3A_44], %swap3A_47 {strides = array<i32>} : memref<512xi32, #tpu.memory_space<vmem>>, vector<16xi32>,
    %get3A_48 = arith.constant 48 : index
    %get3A_49 = tpu.vector_load %arg5[%get3A_48] {strides = array<i32>} : memref<512xi32, #tpu.memory_space<vmem>>, vector<16xi32>,
    %get3A_50 = vector.shape_cast %get3A_49 : vector<16xi32> to vector<16xi32>
    %add3A_51 = arith.constant 48 : i32
    %add3A_52 = arith.addi %mul3A_2, %add3A_51 : i32
    %iota3A_53 = tpu.iota {dimensions = array<i32: 0>} : vector<16xi32>
    %add3A_54 = vector.broadcast %add3A_52 : i32 to vector<16xi32>
    %add3A_55 = arith.addi %add3A_54, %iota3A_53 : vector<16xi32>
    %mul3A_56 = arith.constant 1000 : i32
    %mul3A_57 = vector.broadcast %mul3A_56 : i32 to vector<16xi32>
    %mul3A_58 = arith.muli %add3A_55, %mul3A_57 : vector<16xi32>
    %add3A_59 = arith.addi %mul3A_58, %get3A_50 : vector<16xi32>
    %swap3A_60 = arith.constant 48 : index
    %swap3A_61 = tpu.vector_load %arg6[%swap3A_60] {strides = array<i32>} : memref<512xi32, #tpu.memory_space<vmem>>, vector<16xi32>,
    %swap3A_62 = vector.shape_cast %swap3A_61 : vector<16xi32> to vector<16xi32>
    %swap3A_63 = vector.shape_cast %add3A_59 : vector<16xi32> to vector<16xi32>
    tpu.vector_store %arg6[%swap3A_60], %swap3A_63 {strides = array<i32>} : memref<512xi32, #tpu.memory_space<vmem>>, vector<16xi32>,
    %get3A_64 = arith.constant 64 : index
    %get3A_65 = tpu.vector_load %arg5[%get3A_64] {strides = array<i32>} : memref<512xi32, #tpu.memory_space<vmem>>, vector<16xi32>,
    %get3A_66 = vector.shape_cast %get3A_65 : vector<16xi32> to vector<16xi32>
    %add3A_67 = arith.constant 64 : i32
    %add3A_68 = arith.addi %mul3A_2, %add3A_67 : i32
    %iota3A_69 = tpu.iota {dimensions = array<i32: 0>} : vector<16xi32>
    %add3A_70 = vector.broadcast %add3A_68 : i32 to vector<16xi32>
    %add3A_71 = arith.addi %add3A_70, %iota3A_69 : vector<16xi32>
    %mul3A_72 = arith.constant 1000 : i32
    %mul3A_73 = vector.broadcast %mul3A_72 : i32 to vector<16xi32>
    %mul3A_74 = arith.muli %add3A_71, %mul3A_73 : vector<16xi32>
    %add3A_75 = arith.addi %mul3A_74, %get3A_66 : vector<16xi32>
    %swap3A_76 = arith.constant 64 : index
    %swap3A_77 = tpu.vector_load %arg6[%swap3A_76] {strides = array<i32>} : memref<512xi32, #tpu.memory_space<vmem>>, vector<16xi32>,
    %swap3A_78 = vector.shape_cast %swap3A_77 : vector<16xi32> to vector<16xi32>
    %swap3A_79 = vector.shape_cast %add3A_75 : vector<16xi32> to vector<16xi32>
    tpu.vector_store %arg6[%swap3A_76], %swap3A_79 {strides = array<i32>} : memref<512xi32, #tpu.memory_space<vmem>>, vector<16xi32>,
    %get3A_80 = arith.constant 80 : index
    %get3A_81 = tpu.vector_load %arg5[%get3A_80] {strides = array<i32>} : memref<512xi32, #tpu.memory_space<vmem>>, vector<16xi32>,
    %get3A_82 = vector.shape_cast %get3A_81 : vector<16xi32> to vector<16xi32>
    %add3A_83 = arith.constant 80 : i32
    %add3A_84 = arith.addi %mul3A_2, %add3A_83 : i32
    %iota3A_85 = tpu.iota {dimensions = array<i32: 0>} : vector<16xi32>
    %add3A_86 = vector.broadcast %add3A_84 : i32 to vector<16xi32>
    %add3A_87 = arith.addi %add3A_86, %iota3A_85 : vector<16xi32>
    %mul3A_88 = arith.constant 1000 : i32
    %mul3A_89 = vector.broadcast %mul3A_88 : i32 to vector<16xi32>
    %mul3A_90 = arith.muli %add3A_87, %mul3A_89 : vector<16xi32>
    %add3A_91 = arith.addi %mul3A_90, %get3A_82 : vector<16xi32>
    %swap3A_92 = arith.constant 80 : index
    %swap3A_93 = tpu.vector_load %arg6[%swap3A_92] {strides = array<i32>} : memref<512xi32, #tpu.memory_space<vmem>>, vector<16xi32>,
    %swap3A_94 = vector.shape_cast %swap3A_93 : vector<16xi32> to vector<16xi32>
    %swap3A_95 = vector.shape_cast %add3A_91 : vector<16xi32> to vector<16xi32>
    tpu.vector_store %arg6[%swap3A_92], %swap3A_95 {strides = array<i32>} : memref<512xi32, #tpu.memory_space<vmem>>, vector<16xi32>,
    %get3A_96 = arith.constant 96 : index
    %get3A_97 = tpu.vector_load %arg5[%get3A_96] {strides = array<i32>} : memref<512xi32, #tpu.memory_space<vmem>>, vector<16xi32>,
    %get3A_98 = vector.shape_cast %get3A_97 : vector<16xi32> to vector<16xi32>
    %add3A_99 = arith.constant 96 : i32
    %add3A_100 = arith.addi %mul3A_2, %add3A_99 : i32
    %iota3A_101 = tpu.iota {dimensions = array<i32: 0>} : vector<16xi32>
    %add3A_102 = vector.broadcast %add3A_100 : i32 to vector<16xi32>
    %add3A_103 = arith.addi %add3A_102, %iota3A_101 : vector<16xi32>
    %mul3A_104 = arith.constant 1000 : i32
    %mul3A_105 = vector.broadcast %mul3A_104 : i32 to vector<16xi32>
    %mul3A_106 = arith.muli %add3A_103, %mul3A_105 : vector<16xi32>
    %add3A_107 = arith.addi %mul3A_106, %get3A_98 : vector<16xi32>
    %swap3A_108 = arith.constant 96 : index
    %swap3A_109 = tpu.vector_load %arg6[%swap3A_108] {strides = array<i32>} : memref<512xi32, #tpu.memory_space<vmem>>, vector<16xi32>,
    %swap3A_110 = vector.shape_cast %swap3A_109 : vector<16xi32> to vector<16xi32>
    %swap3A_111 = vector.shape_cast %add3A_107 : vector<16xi32> to vector<16xi32>
    tpu.vector_store %arg6[%swap3A_108], %swap3A_111 {strides = array<i32>} : memref<512xi32, #tpu.memory_space<vmem>>, vector<16xi32>,
    %get3A_112 = arith.constant 112 : index
    %get3A_113 = tpu.vector_load %arg5[%get3A_112] {strides = array<i32>} : memref<512xi32, #tpu.memory_space<vmem>>, vector<16xi32>,
    %get3A_114 = vector.shape_cast %get3A_113 : vector<16xi32> to vector<16xi32>
    %add3A_115 = arith.constant 112 : i32
    %add3A_116 = arith.addi %mul3A_2, %add3A_115 : i32
    %iota3A_117 = tpu.iota {dimensions = array<i32: 0>} : vector<16xi32>
    %add3A_118 = vector.broadcast %add3A_116 : i32 to vector<16xi32>
    %add3A_119 = arith.addi %add3A_118, %iota3A_117 : vector<16xi32>
    %mul3A_120 = arith.constant 1000 : i32
    %mul3A_121 = vector.broadcast %mul3A_120 : i32 to vector<16xi32>
    %mul3A_122 = arith.muli %add3A_119, %mul3A_121 : vector<16xi32>
    %add3A_123 = arith.addi %mul3A_122, %get3A_114 : vector<16xi32>
    %swap3A_124 = arith.constant 112 : index
    %swap3A_125 = tpu.vector_load %arg6[%swap3A_124] {strides = array<i32>} : memref<512xi32, #tpu.memory_space<vmem>>, vector<16xi32>,
    %swap3A_126 = vector.shape_cast %swap3A_125 : vector<16xi32> to vector<16xi32>
    %swap3A_127 = vector.shape_cast %add3A_123 : vector<16xi32> to vector<16xi32>
    tpu.vector_store %arg6[%swap3A_124], %swap3A_127 {strides = array<i32>} : memref<512xi32, #tpu.memory_space<vmem>>, vector<16xi32>,
    %get3A_128 = arith.constant 128 : index
    %get3A_129 = tpu.vector_load %arg5[%get3A_128] {strides = array<i32>} : memref<512xi32, #tpu.memory_space<vmem>>, vector<16xi32>,
    %get3A_130 = vector.shape_cast %get3A_129 : vector<16xi32> to vector<16xi32>
    %add3A_131 = arith.constant 128 : i32
    %add3A_132 = arith.addi %mul3A_2, %add3A_131 : i32
    %iota3A_133 = tpu.iota {dimensions = array<i32: 0>} : vector<16xi32>
    %add3A_134 = vector.broadcast %add3A_132 : i32 to vector<16xi32>
    %add3A_135 = arith.addi %add3A_134, %iota3A_133 : vector<16xi32>
    %mul3A_136 = arith.constant 1000 : i32
    %mul3A_137 = vector.broadcast %mul3A_136 : i32 to vector<16xi32>
    %mul3A_138 = arith.muli %add3A_135, %mul3A_137 : vector<16xi32>
    %add3A_139 = arith.addi %mul3A_138, %get3A_130 : vector<16xi32>
    %swap3A_140 = arith.constant 128 : index
    %swap3A_141 = tpu.vector_load %arg6[%swap3A_140] {strides = array<i32>} : memref<512xi32, #tpu.memory_space<vmem>>, vector<16xi32>,
    %swap3A_142 = vector.shape_cast %swap3A_141 : vector<16xi32> to vector<16xi32>
    %swap3A_143 = vector.shape_cast %add3A_139 : vector<16xi32> to vector<16xi32>
    tpu.vector_store %arg6[%swap3A_140], %swap3A_143 {strides = array<i32>} : memref<512xi32, #tpu.memory_space<vmem>>, vector<16xi32>,
    %get3A_144 = arith.constant 144 : index
    %get3A_145 = tpu.vector_load %arg5[%get3A_144] {strides = array<i32>} : memref<512xi32, #tpu.memory_space<vmem>>, vector<16xi32>,
    %get3A_146 = vector.shape_cast %get3A_145 : vector<16xi32> to vector<16xi32>
    %add3A_147 = arith.constant 144 : i32
    %add3A_148 = arith.addi %mul3A_2, %add3A_147 : i32
    %iota3A_149 = tpu.iota {dimensions = array<i32: 0>} : vector<16xi32>
    %add3A_150 = vector.broadcast %add3A_148 : i32 to vector<16xi32>
    %add3A_151 = arith.addi %add3A_150, %iota3A_149 : vector<16xi32>
    %mul3A_152 = arith.constant 1000 : i32
    %mul3A_153 = vector.broadcast %mul3A_152 : i32 to vector<16xi32>
    %mul3A_154 = arith.muli %add3A_151, %mul3A_153 : vector<16xi32>
    %add3A_155 = arith.addi %mul3A_154, %get3A_146 : vector<16xi32>
    %swap3A_156 = arith.constant 144 : index
    %swap3A_157 = tpu.vector_load %arg6[%swap3A_156] {strides = array<i32>} : memref<512xi32, #tpu.memory_space<vmem>>, vector<16xi32>,
    %swap3A_158 = vector.shape_cast %swap3A_157 : vector<16xi32> to vector<16xi32>
    %swap3A_159 = vector.shape_cast %add3A_155 : vector<16xi32> to vector<16xi32>
    tpu.vector_store %arg6[%swap3A_156], %swap3A_159 {strides = array<i32>} : memref<512xi32, #tpu.memory_space<vmem>>, vector<16xi32>,
    %get3A_160 = arith.constant 160 : index
    %get3A_161 = tpu.vector_load %arg5[%get3A_160] {strides = array<i32>} : memref<512xi32, #tpu.memory_space<vmem>>, vector<16xi32>,
    %get3A_162 = vector.shape_cast %get3A_161 : vector<16xi32> to vector<16xi32>
    %add3A_163 = arith.constant 160 : i32
    %add3A_164 = arith.addi %mul3A_2, %add3A_163 : i32
    %iota3A_165 = tpu.iota {dimensions = array<i32: 0>} : vector<16xi32>
    %add3A_166 = vector.broadcast %add3A_164 : i32 to vector<16xi32>
    %add3A_167 = arith.addi %add3A_166, %iota3A_165 : vector<16xi32>
    %mul3A_168 = arith.constant 1000 : i32
    %mul3A_169 = vector.broadcast %mul3A_168 : i32 to vector<16xi32>
    %mul3A_170 = arith.muli %add3A_167, %mul3A_169 : vector<16xi32>
    %add3A_171 = arith.addi %mul3A_170, %get3A_162 : vector<16xi32>
    %swap3A_172 = arith.constant 160 : index
    %swap3A_173 = tpu.vector_load %arg6[%swap3A_172] {strides = array<i32>} : memref<512xi32, #tpu.memory_space<vmem>>, vector<16xi32>,
    %swap3A_174 = vector.shape_cast %swap3A_173 : vector<16xi32> to vector<16xi32>
    %swap3A_175 = vector.shape_cast %add3A_171 : vector<16xi32> to vector<16xi32>
    tpu.vector_store %arg6[%swap3A_172], %swap3A_175 {strides = array<i32>} : memref<512xi32, #tpu.memory_space<vmem>>, vector<16xi32>,
    %get3A_176 = arith.constant 176 : index
    %get3A_177 = tpu.vector_load %arg5[%get3A_176] {strides = array<i32>} : memref<512xi32, #tpu.memory_space<vmem>>, vector<16xi32>,
    %get3A_178 = vector.shape_cast %get3A_177 : vector<16xi32> to vector<16xi32>
    %add3A_179 = arith.constant 176 : i32
    %add3A_180 = arith.addi %mul3A_2, %add3A_179 : i32
    %iota3A_181 = tpu.iota {dimensions = array<i32: 0>} : vector<16xi32>
    %add3A_182 = vector.broadcast %add3A_180 : i32 to vector<16xi32>
    %add3A_183 = arith.addi %add3A_182, %iota3A_181 : vector<16xi32>
    %mul3A_184 = arith.constant 1000 : i32
    %mul3A_185 = vector.broadcast %mul3A_184 : i32 to vector<16xi32>
    %mul3A_186 = arith.muli %add3A_183, %mul3A_185 : vector<16xi32>
    %add3A_187 = arith.addi %mul3A_186, %get3A_178 : vector<16xi32>
    %swap3A_188 = arith.constant 176 : index
    %swap3A_189 = tpu.vector_load %arg6[%swap3A_188] {strides = array<i32>} : memref<512xi32, #tpu.memory_space<vmem>>, vector<16xi32>,
    %swap3A_190 = vector.shape_cast %swap3A_189 : vector<16xi32> to vector<16xi32>
    %swap3A_191 = vector.shape_cast %add3A_187 : vector<16xi32> to vector<16xi32>
    tpu.vector_store %arg6[%swap3A_188], %swap3A_191 {strides = array<i32>} : memref<512xi32, #tpu.memory_space<vmem>>, vector<16xi32>,
    %get3A_192 = arith.constant 192 : index
    %get3A_193 = tpu.vector_load %arg5[%get3A_192] {strides = array<i32>} : memref<512xi32, #tpu.memory_space<vmem>>, vector<16xi32>,
    %get3A_194 = vector.shape_cast %get3A_193 : vector<16xi32> to vector<16xi32>
    %add3A_195 = arith.constant 192 : i32
    %add3A_196 = arith.addi %mul3A_2, %add3A_195 : i32
    %iota3A_197 = tpu.iota {dimensions = array<i32: 0>} : vector<16xi32>
    %add3A_198 = vector.broadcast %add3A_196 : i32 to vector<16xi32>
    %add3A_199 = arith.addi %add3A_198, %iota3A_197 : vector<16xi32>
    %mul3A_200 = arith.constant 1000 : i32
    %mul3A_201 = vector.broadcast %mul3A_200 : i32 to vector<16xi32>
    %mul3A_202 = arith.muli %add3A_199, %mul3A_201 : vector<16xi32>
    %add3A_203 = arith.addi %mul3A_202, %get3A_194 : vector<16xi32>
    %swap3A_204 = arith.constant 192 : index
    %swap3A_205 = tpu.vector_load %arg6[%swap3A_204] {strides = array<i32>} : memref<512xi32, #tpu.memory_space<vmem>>, vector<16xi32>,
    %swap3A_206 = vector.shape_cast %swap3A_205 : vector<16xi32> to vector<16xi32>
    %swap3A_207 = vector.shape_cast %add3A_203 : vector<16xi32> to vector<16xi32>
    tpu.vector_store %arg6[%swap3A_204], %swap3A_207 {strides = array<i32>} : memref<512xi32, #tpu.memory_space<vmem>>, vector<16xi32>,
    %get3A_208 = arith.constant 208 : index
    %get3A_209 = tpu.vector_load %arg5[%get3A_208] {strides = array<i32>} : memref<512xi32, #tpu.memory_space<vmem>>, vector<16xi32>,
    %get3A_210 = vector.shape_cast %get3A_209 : vector<16xi32> to vector<16xi32>
    %add3A_211 = arith.constant 208 : i32
    %add3A_212 = arith.addi %mul3A_2, %add3A_211 : i32
    %iota3A_213 = tpu.iota {dimensions = array<i32: 0>} : vector<16xi32>
    %add3A_214 = vector.broadcast %add3A_212 : i32 to vector<16xi32>
    %add3A_215 = arith.addi %add3A_214, %iota3A_213 : vector<16xi32>
    %mul3A_216 = arith.constant 1000 : i32
    %mul3A_217 = vector.broadcast %mul3A_216 : i32 to vector<16xi32>
    %mul3A_218 = arith.muli %add3A_215, %mul3A_217 : vector<16xi32>
    %add3A_219 = arith.addi %mul3A_218, %get3A_210 : vector<16xi32>
    %swap3A_220 = arith.constant 208 : index
    %swap3A_221 = tpu.vector_load %arg6[%swap3A_220] {strides = array<i32>} : memref<512xi32, #tpu.memory_space<vmem>>, vector<16xi32>,
    %swap3A_222 = vector.shape_cast %swap3A_221 : vector<16xi32> to vector<16xi32>
    %swap3A_223 = vector.shape_cast %add3A_219 : vector<16xi32> to vector<16xi32>
    tpu.vector_store %arg6[%swap3A_220], %swap3A_223 {strides = array<i32>} : memref<512xi32, #tpu.memory_space<vmem>>, vector<16xi32>,
    %get3A_224 = arith.constant 224 : index
    %get3A_225 = tpu.vector_load %arg5[%get3A_224] {strides = array<i32>} : memref<512xi32, #tpu.memory_space<vmem>>, vector<16xi32>,
    %get3A_226 = vector.shape_cast %get3A_225 : vector<16xi32> to vector<16xi32>
    %add3A_227 = arith.constant 224 : i32
    %add3A_228 = arith.addi %mul3A_2, %add3A_227 : i32
    %iota3A_229 = tpu.iota {dimensions = array<i32: 0>} : vector<16xi32>
    %add3A_230 = vector.broadcast %add3A_228 : i32 to vector<16xi32>
    %add3A_231 = arith.addi %add3A_230, %iota3A_229 : vector<16xi32>
    %mul3A_232 = arith.constant 1000 : i32
    %mul3A_233 = vector.broadcast %mul3A_232 : i32 to vector<16xi32>
    %mul3A_234 = arith.muli %add3A_231, %mul3A_233 : vector<16xi32>
    %add3A_235 = arith.addi %mul3A_234, %get3A_226 : vector<16xi32>
    %swap3A_236 = arith.constant 224 : index
    %swap3A_237 = tpu.vector_load %arg6[%swap3A_236] {strides = array<i32>} : memref<512xi32, #tpu.memory_space<vmem>>, vector<16xi32>,
    %swap3A_238 = vector.shape_cast %swap3A_237 : vector<16xi32> to vector<16xi32>
    %swap3A_239 = vector.shape_cast %add3A_235 : vector<16xi32> to vector<16xi32>
    tpu.vector_store %arg6[%swap3A_236], %swap3A_239 {strides = array<i32>} : memref<512xi32, #tpu.memory_space<vmem>>, vector<16xi32>,
    %get3A_240 = arith.constant 240 : index
    %get3A_241 = tpu.vector_load %arg5[%get3A_240] {strides = array<i32>} : memref<512xi32, #tpu.memory_space<vmem>>, vector<16xi32>,
    %get3A_242 = vector.shape_cast %get3A_241 : vector<16xi32> to vector<16xi32>
    %add3A_243 = arith.constant 240 : i32
    %add3A_244 = arith.addi %mul3A_2, %add3A_243 : i32
    %iota3A_245 = tpu.iota {dimensions = array<i32: 0>} : vector<16xi32>
    %add3A_246 = vector.broadcast %add3A_244 : i32 to vector<16xi32>
    %add3A_247 = arith.addi %add3A_246, %iota3A_245 : vector<16xi32>
    %mul3A_248 = arith.constant 1000 : i32
    %mul3A_249 = vector.broadcast %mul3A_248 : i32 to vector<16xi32>
    %mul3A_250 = arith.muli %add3A_247, %mul3A_249 : vector<16xi32>
    %add3A_251 = arith.addi %mul3A_250, %get3A_242 : vector<16xi32>
    %swap3A_252 = arith.constant 240 : index
    %swap3A_253 = tpu.vector_load %arg6[%swap3A_252] {strides = array<i32>} : memref<512xi32, #tpu.memory_space<vmem>>, vector<16xi32>,
    %swap3A_254 = vector.shape_cast %swap3A_253 : vector<16xi32> to vector<16xi32>
    %swap3A_255 = vector.shape_cast %add3A_251 : vector<16xi32> to vector<16xi32>
    tpu.vector_store %arg6[%swap3A_252], %swap3A_255 {strides = array<i32>} : memref<512xi32, #tpu.memory_space<vmem>>, vector<16xi32>,
    %get3A_256 = arith.constant 256 : index
    %get3A_257 = tpu.vector_load %arg5[%get3A_256] {strides = array<i32>} : memref<512xi32, #tpu.memory_space<vmem>>, vector<16xi32>,
    %get3A_258 = vector.shape_cast %get3A_257 : vector<16xi32> to vector<16xi32>
    %add3A_259 = arith.constant 256 : i32
    %add3A_260 = arith.addi %mul3A_2, %add3A_259 : i32
    %iota3A_261 = tpu.iota {dimensions = array<i32: 0>} : vector<16xi32>
    %add3A_262 = vector.broadcast %add3A_260 : i32 to vector<16xi32>
    %add3A_263 = arith.addi %add3A_262, %iota3A_261 : vector<16xi32>
    %mul3A_264 = arith.constant 1000 : i32
    %mul3A_265 = vector.broadcast %mul3A_264 : i32 to vector<16xi32>
    %mul3A_266 = arith.muli %add3A_263, %mul3A_265 : vector<16xi32>
    %add3A_267 = arith.addi %mul3A_266, %get3A_258 : vector<16xi32>
    %swap3A_268 = arith.constant 256 : index
    %swap3A_269 = tpu.vector_load %arg6[%swap3A_268] {strides = array<i32>} : memref<512xi32, #tpu.memory_space<vmem>>, vector<16xi32>,
    %swap3A_270 = vector.shape_cast %swap3A_269 : vector<16xi32> to vector<16xi32>
    %swap3A_271 = vector.shape_cast %add3A_267 : vector<16xi32> to vector<16xi32>
    tpu.vector_store %arg6[%swap3A_268], %swap3A_271 {strides = array<i32>} : memref<512xi32, #tpu.memory_space<vmem>>, vector<16xi32>,
    %get3A_272 = arith.constant 272 : index
    %get3A_273 = tpu.vector_load %arg5[%get3A_272] {strides = array<i32>} : memref<512xi32, #tpu.memory_space<vmem>>, vector<16xi32>,
    %get3A_274 = vector.shape_cast %get3A_273 : vector<16xi32> to vector<16xi32>
    %add3A_275 = arith.constant 272 : i32
    %add3A_276 = arith.addi %mul3A_2, %add3A_275 : i32
    %iota3A_277 = tpu.iota {dimensions = array<i32: 0>} : vector<16xi32>
    %add3A_278 = vector.broadcast %add3A_276 : i32 to vector<16xi32>
    %add3A_279 = arith.addi %add3A_278, %iota3A_277 : vector<16xi32>
    %mul3A_280 = arith.constant 1000 : i32
    %mul3A_281 = vector.broadcast %mul3A_280 : i32 to vector<16xi32>
    %mul3A_282 = arith.muli %add3A_279, %mul3A_281 : vector<16xi32>
    %add3A_283 = arith.addi %mul3A_282, %get3A_274 : vector<16xi32>
    %swap3A_284 = arith.constant 272 : index
    %swap3A_285 = tpu.vector_load %arg6[%swap3A_284] {strides = array<i32>} : memref<512xi32, #tpu.memory_space<vmem>>, vector<16xi32>,
    %swap3A_286 = vector.shape_cast %swap3A_285 : vector<16xi32> to vector<16xi32>
    %swap3A_287 = vector.shape_cast %add3A_283 : vector<16xi32> to vector<16xi32>
    tpu.vector_store %arg6[%swap3A_284], %swap3A_287 {strides = array<i32>} : memref<512xi32, #tpu.memory_space<vmem>>, vector<16xi32>,
    %get3A_288 = arith.constant 288 : index
    %get3A_289 = tpu.vector_load %arg5[%get3A_288] {strides = array<i32>} : memref<512xi32, #tpu.memory_space<vmem>>, vector<16xi32>,
    %get3A_290 = vector.shape_cast %get3A_289 : vector<16xi32> to vector<16xi32>
    %add3A_291 = arith.constant 288 : i32
    %add3A_292 = arith.addi %mul3A_2, %add3A_291 : i32
    %iota3A_293 = tpu.iota {dimensions = array<i32: 0>} : vector<16xi32>
    %add3A_294 = vector.broadcast %add3A_292 : i32 to vector<16xi32>
    %add3A_295 = arith.addi %add3A_294, %iota3A_293 : vector<16xi32>
    %mul3A_296 = arith.constant 1000 : i32
    %mul3A_297 = vector.broadcast %mul3A_296 : i32 to vector<16xi32>
    %mul3A_298 = arith.muli %add3A_295, %mul3A_297 : vector<16xi32>
    %add3A_299 = arith.addi %mul3A_298, %get3A_290 : vector<16xi32>
    %swap3A_300 = arith.constant 288 : index
    %swap3A_301 = tpu.vector_load %arg6[%swap3A_300] {strides = array<i32>} : memref<512xi32, #tpu.memory_space<vmem>>, vector<16xi32>,
    %swap3A_302 = vector.shape_cast %swap3A_301 : vector<16xi32> to vector<16xi32>
    %swap3A_303 = vector.shape_cast %add3A_299 : vector<16xi32> to vector<16xi32>
    tpu.vector_store %arg6[%swap3A_300], %swap3A_303 {strides = array<i32>} : memref<512xi32, #tpu.memory_space<vmem>>, vector<16xi32>,
    %get3A_304 = arith.constant 304 : index
    %get3A_305 = tpu.vector_load %arg5[%get3A_304] {strides = array<i32>} : memref<512xi32, #tpu.memory_space<vmem>>, vector<16xi32>,
    %get3A_306 = vector.shape_cast %get3A_305 : vector<16xi32> to vector<16xi32>
    %add3A_307 = arith.constant 304 : i32
    %add3A_308 = arith.addi %mul3A_2, %add3A_307 : i32
    %iota3A_309 = tpu.iota {dimensions = array<i32: 0>} : vector<16xi32>
    %add3A_310 = vector.broadcast %add3A_308 : i32 to vector<16xi32>
    %add3A_311 = arith.addi %add3A_310, %iota3A_309 : vector<16xi32>
    %mul3A_312 = arith.constant 1000 : i32
    %mul3A_313 = vector.broadcast %mul3A_312 : i32 to vector<16xi32>
    %mul3A_314 = arith.muli %add3A_311, %mul3A_313 : vector<16xi32>
    %add3A_315 = arith.addi %mul3A_314, %get3A_306 : vector<16xi32>
    %swap3A_316 = arith.constant 304 : index
    %swap3A_317 = tpu.vector_load %arg6[%swap3A_316] {strides = array<i32>} : memref<512xi32, #tpu.memory_space<vmem>>, vector<16xi32>,
    %swap3A_318 = vector.shape_cast %swap3A_317 : vector<16xi32> to vector<16xi32>
    %swap3A_319 = vector.shape_cast %add3A_315 : vector<16xi32> to vector<16xi32>
    tpu.vector_store %arg6[%swap3A_316], %swap3A_319 {strides = array<i32>} : memref<512xi32, #tpu.memory_space<vmem>>, vector<16xi32>,
    %get3A_320 = arith.constant 320 : index
    %get3A_321 = tpu.vector_load %arg5[%get3A_320] {strides = array<i32>} : memref<512xi32, #tpu.memory_space<vmem>>, vector<16xi32>,
    %get3A_322 = vector.shape_cast %get3A_321 : vector<16xi32> to vector<16xi32>
    %add3A_323 = arith.constant 320 : i32
    %add3A_324 = arith.addi %mul3A_2, %add3A_323 : i32
    %iota3A_325 = tpu.iota {dimensions = array<i32: 0>} : vector<16xi32>
    %add3A_326 = vector.broadcast %add3A_324 : i32 to vector<16xi32>
    %add3A_327 = arith.addi %add3A_326, %iota3A_325 : vector<16xi32>
    %mul3A_328 = arith.constant 1000 : i32
    %mul3A_329 = vector.broadcast %mul3A_328 : i32 to vector<16xi32>
    %mul3A_330 = arith.muli %add3A_327, %mul3A_329 : vector<16xi32>
    %add3A_331 = arith.addi %mul3A_330, %get3A_322 : vector<16xi32>
    %swap3A_332 = arith.constant 320 : index
    %swap3A_333 = tpu.vector_load %arg6[%swap3A_332] {strides = array<i32>} : memref<512xi32, #tpu.memory_space<vmem>>, vector<16xi32>,
    %swap3A_334 = vector.shape_cast %swap3A_333 : vector<16xi32> to vector<16xi32>
    %swap3A_335 = vector.shape_cast %add3A_331 : vector<16xi32> to vector<16xi32>
    tpu.vector_store %arg6[%swap3A_332], %swap3A_335 {strides = array<i32>} : memref<512xi32, #tpu.memory_space<vmem>>, vector<16xi32>,
    %get3A_336 = arith.constant 336 : index
    %get3A_337 = tpu.vector_load %arg5[%get3A_336] {strides = array<i32>} : memref<512xi32, #tpu.memory_space<vmem>>, vector<16xi32>,
    %get3A_338 = vector.shape_cast %get3A_337 : vector<16xi32> to vector<16xi32>
    %add3A_339 = arith.constant 336 : i32
    %add3A_340 = arith.addi %mul3A_2, %add3A_339 : i32
    %iota3A_341 = tpu.iota {dimensions = array<i32: 0>} : vector<16xi32>
    %add3A_342 = vector.broadcast %add3A_340 : i32 to vector<16xi32>
    %add3A_343 = arith.addi %add3A_342, %iota3A_341 : vector<16xi32>
    %mul3A_344 = arith.constant 1000 : i32
    %mul3A_345 = vector.broadcast %mul3A_344 : i32 to vector<16xi32>
    %mul3A_346 = arith.muli %add3A_343, %mul3A_345 : vector<16xi32>
    %add3A_347 = arith.addi %mul3A_346, %get3A_338 : vector<16xi32>
    %swap3A_348 = arith.constant 336 : index
    %swap3A_349 = tpu.vector_load %arg6[%swap3A_348] {strides = array<i32>} : memref<512xi32, #tpu.memory_space<vmem>>, vector<16xi32>,
    %swap3A_350 = vector.shape_cast %swap3A_349 : vector<16xi32> to vector<16xi32>
    %swap3A_351 = vector.shape_cast %add3A_347 : vector<16xi32> to vector<16xi32>
    tpu.vector_store %arg6[%swap3A_348], %swap3A_351 {strides = array<i32>} : memref<512xi32, #tpu.memory_space<vmem>>, vector<16xi32>,
    %get3A_352 = arith.constant 352 : index
    %get3A_353 = tpu.vector_load %arg5[%get3A_352] {strides = array<i32>} : memref<512xi32, #tpu.memory_space<vmem>>, vector<16xi32>,
    %get3A_354 = vector.shape_cast %get3A_353 : vector<16xi32> to vector<16xi32>
    %add3A_355 = arith.constant 352 : i32
    %add3A_356 = arith.addi %mul3A_2, %add3A_355 : i32
    %iota3A_357 = tpu.iota {dimensions = array<i32: 0>} : vector<16xi32>
    %add3A_358 = vector.broadcast %add3A_356 : i32 to vector<16xi32>
    %add3A_359 = arith.addi %add3A_358, %iota3A_357 : vector<16xi32>
    %mul3A_360 = arith.constant 1000 : i32
    %mul3A_361 = vector.broadcast %mul3A_360 : i32 to vector<16xi32>
    %mul3A_362 = arith.muli %add3A_359, %mul3A_361 : vector<16xi32>
    %add3A_363 = arith.addi %mul3A_362, %get3A_354 : vector<16xi32>
    %swap3A_364 = arith.constant 352 : index
    %swap3A_365 = tpu.vector_load %arg6[%swap3A_364] {strides = array<i32>} : memref<512xi32, #tpu.memory_space<vmem>>, vector<16xi32>,
    %swap3A_366 = vector.shape_cast %swap3A_365 : vector<16xi32> to vector<16xi32>
    %swap3A_367 = vector.shape_cast %add3A_363 : vector<16xi32> to vector<16xi32>
    tpu.vector_store %arg6[%swap3A_364], %swap3A_367 {strides = array<i32>} : memref<512xi32, #tpu.memory_space<vmem>>, vector<16xi32>,
    %get3A_368 = arith.constant 368 : index
    %get3A_369 = tpu.vector_load %arg5[%get3A_368] {strides = array<i32>} : memref<512xi32, #tpu.memory_space<vmem>>, vector<16xi32>,
    %get3A_370 = vector.shape_cast %get3A_369 : vector<16xi32> to vector<16xi32>
    %add3A_371 = arith.constant 368 : i32
    %add3A_372 = arith.addi %mul3A_2, %add3A_371 : i32
    %iota3A_373 = tpu.iota {dimensions = array<i32: 0>} : vector<16xi32>
    %add3A_374 = vector.broadcast %add3A_372 : i32 to vector<16xi32>
    %add3A_375 = arith.addi %add3A_374, %iota3A_373 : vector<16xi32>
    %mul3A_376 = arith.constant 1000 : i32
    %mul3A_377 = vector.broadcast %mul3A_376 : i32 to vector<16xi32>
    %mul3A_378 = arith.muli %add3A_375, %mul3A_377 : vector<16xi32>
    %add3A_379 = arith.addi %mul3A_378, %get3A_370 : vector<16xi32>
    %swap3A_380 = arith.constant 368 : index
    %swap3A_381 = tpu.vector_load %arg6[%swap3A_380] {strides = array<i32>} : memref<512xi32, #tpu.memory_space<vmem>>, vector<16xi32>,
    %swap3A_382 = vector.shape_cast %swap3A_381 : vector<16xi32> to vector<16xi32>
    %swap3A_383 = vector.shape_cast %add3A_379 : vector<16xi32> to vector<16xi32>
    tpu.vector_store %arg6[%swap3A_380], %swap3A_383 {strides = array<i32>} : memref<512xi32, #tpu.memory_space<vmem>>, vector<16xi32>,
    %get3A_384 = arith.constant 384 : index
    %get3A_385 = tpu.vector_load %arg5[%get3A_384] {strides = array<i32>} : memref<512xi32, #tpu.memory_space<vmem>>, vector<16xi32>,
    %get3A_386 = vector.shape_cast %get3A_385 : vector<16xi32> to vector<16xi32>
    %add3A_387 = arith.constant 384 : i32
    %add3A_388 = arith.addi %mul3A_2, %add3A_387 : i32
    %iota3A_389 = tpu.iota {dimensions = array<i32: 0>} : vector<16xi32>
    %add3A_390 = vector.broadcast %add3A_388 : i32 to vector<16xi32>
    %add3A_391 = arith.addi %add3A_390, %iota3A_389 : vector<16xi32>
    %mul3A_392 = arith.constant 1000 : i32
    %mul3A_393 = vector.broadcast %mul3A_392 : i32 to vector<16xi32>
    %mul3A_394 = arith.muli %add3A_391, %mul3A_393 : vector<16xi32>
    %add3A_395 = arith.addi %mul3A_394, %get3A_386 : vector<16xi32>
    %swap3A_396 = arith.constant 384 : index
    %swap3A_397 = tpu.vector_load %arg6[%swap3A_396] {strides = array<i32>} : memref<512xi32, #tpu.memory_space<vmem>>, vector<16xi32>,
    %swap3A_398 = vector.shape_cast %swap3A_397 : vector<16xi32> to vector<16xi32>
    %swap3A_399 = vector.shape_cast %add3A_395 : vector<16xi32> to vector<16xi32>
    tpu.vector_store %arg6[%swap3A_396], %swap3A_399 {strides = array<i32>} : memref<512xi32, #tpu.memory_space<vmem>>, vector<16xi32>,
    %get3A_400 = arith.constant 400 : index
    %get3A_401 = tpu.vector_load %arg5[%get3A_400] {strides = array<i32>} : memref<512xi32, #tpu.memory_space<vmem>>, vector<16xi32>,
    %get3A_402 = vector.shape_cast %get3A_401 : vector<16xi32> to vector<16xi32>
    %add3A_403 = arith.constant 400 : i32
    %add3A_404 = arith.addi %mul3A_2, %add3A_403 : i32
    %iota3A_405 = tpu.iota {dimensions = array<i32: 0>} : vector<16xi32>
    %add3A_406 = vector.broadcast %add3A_404 : i32 to vector<16xi32>
    %add3A_407 = arith.addi %add3A_406, %iota3A_405 : vector<16xi32>
    %mul3A_408 = arith.constant 1000 : i32
    %mul3A_409 = vector.broadcast %mul3A_408 : i32 to vector<16xi32>
    %mul3A_410 = arith.muli %add3A_407, %mul3A_409 : vector<16xi32>
    %add3A_411 = arith.addi %mul3A_410, %get3A_402 : vector<16xi32>
    %swap3A_412 = arith.constant 400 : index
    %swap3A_413 = tpu.vector_load %arg6[%swap3A_412] {strides = array<i32>} : memref<512xi32, #tpu.memory_space<vmem>>, vector<16xi32>,
    %swap3A_414 = vector.shape_cast %swap3A_413 : vector<16xi32> to vector<16xi32>
    %swap3A_415 = vector.shape_cast %add3A_411 : vector<16xi32> to vector<16xi32>
    tpu.vector_store %arg6[%swap3A_412], %swap3A_415 {strides = array<i32>} : memref<512xi32, #tpu.memory_space<vmem>>, vector<16xi32>,
    %get3A_416 = arith.constant 416 : index
    %get3A_417 = tpu.vector_load %arg5[%get3A_416] {strides = array<i32>} : memref<512xi32, #tpu.memory_space<vmem>>, vector<16xi32>,
    %get3A_418 = vector.shape_cast %get3A_417 : vector<16xi32> to vector<16xi32>
    %add3A_419 = arith.constant 416 : i32
    %add3A_420 = arith.addi %mul3A_2, %add3A_419 : i32
    %iota3A_421 = tpu.iota {dimensions = array<i32: 0>} : vector<16xi32>
    %add3A_422 = vector.broadcast %add3A_420 : i32 to vector<16xi32>
    %add3A_423 = arith.addi %add3A_422, %iota3A_421 : vector<16xi32>
    %mul3A_424 = arith.constant 1000 : i32
    %mul3A_425 = vector.broadcast %mul3A_424 : i32 to vector<16xi32>
    %mul3A_426 = arith.muli %add3A_423, %mul3A_425 : vector<16xi32>
    %add3A_427 = arith.addi %mul3A_426, %get3A_418 : vector<16xi32>
    %swap3A_428 = arith.constant 416 : index
    %swap3A_429 = tpu.vector_load %arg6[%swap3A_428] {strides = array<i32>} : memref<512xi32, #tpu.memory_space<vmem>>, vector<16xi32>,
    %swap3A_430 = vector.shape_cast %swap3A_429 : vector<16xi32> to vector<16xi32>
    %swap3A_431 = vector.shape_cast %add3A_427 : vector<16xi32> to vector<16xi32>
    tpu.vector_store %arg6[%swap3A_428], %swap3A_431 {strides = array<i32>} : memref<512xi32, #tpu.memory_space<vmem>>, vector<16xi32>,
    %get3A_432 = arith.constant 432 : index
    %get3A_433 = tpu.vector_load %arg5[%get3A_432] {strides = array<i32>} : memref<512xi32, #tpu.memory_space<vmem>>, vector<16xi32>,
    %get3A_434 = vector.shape_cast %get3A_433 : vector<16xi32> to vector<16xi32>
    %add3A_435 = arith.constant 432 : i32
    %add3A_436 = arith.addi %mul3A_2, %add3A_435 : i32
    %iota3A_437 = tpu.iota {dimensions = array<i32: 0>} : vector<16xi32>
    %add3A_438 = vector.broadcast %add3A_436 : i32 to vector<16xi32>
    %add3A_439 = arith.addi %add3A_438, %iota3A_437 : vector<16xi32>
    %mul3A_440 = arith.constant 1000 : i32
    %mul3A_441 = vector.broadcast %mul3A_440 : i32 to vector<16xi32>
    %mul3A_442 = arith.muli %add3A_439, %mul3A_441 : vector<16xi32>
    %add3A_443 = arith.addi %mul3A_442, %get3A_434 : vector<16xi32>
    %swap3A_444 = arith.constant 432 : index
    %swap3A_445 = tpu.vector_load %arg6[%swap3A_444] {strides = array<i32>} : memref<512xi32, #tpu.memory_space<vmem>>, vector<16xi32>,
    %swap3A_446 = vector.shape_cast %swap3A_445 : vector<16xi32> to vector<16xi32>
    %swap3A_447 = vector.shape_cast %add3A_443 : vector<16xi32> to vector<16xi32>
    tpu.vector_store %arg6[%swap3A_444], %swap3A_447 {strides = array<i32>} : memref<512xi32, #tpu.memory_space<vmem>>, vector<16xi32>,
    %get3A_448 = arith.constant 448 : index
    %get3A_449 = tpu.vector_load %arg5[%get3A_448] {strides = array<i32>} : memref<512xi32, #tpu.memory_space<vmem>>, vector<16xi32>,
    %get3A_450 = vector.shape_cast %get3A_449 : vector<16xi32> to vector<16xi32>
    %add3A_451 = arith.constant 448 : i32
    %add3A_452 = arith.addi %mul3A_2, %add3A_451 : i32
    %iota3A_453 = tpu.iota {dimensions = array<i32: 0>} : vector<16xi32>
    %add3A_454 = vector.broadcast %add3A_452 : i32 to vector<16xi32>
    %add3A_455 = arith.addi %add3A_454, %iota3A_453 : vector<16xi32>
    %mul3A_456 = arith.constant 1000 : i32
    %mul3A_457 = vector.broadcast %mul3A_456 : i32 to vector<16xi32>
    %mul3A_458 = arith.muli %add3A_455, %mul3A_457 : vector<16xi32>
    %add3A_459 = arith.addi %mul3A_458, %get3A_450 : vector<16xi32>
    %swap3A_460 = arith.constant 448 : index
    %swap3A_461 = tpu.vector_load %arg6[%swap3A_460] {strides = array<i32>} : memref<512xi32, #tpu.memory_space<vmem>>, vector<16xi32>,
    %swap3A_462 = vector.shape_cast %swap3A_461 : vector<16xi32> to vector<16xi32>
    %swap3A_463 = vector.shape_cast %add3A_459 : vector<16xi32> to vector<16xi32>
    tpu.vector_store %arg6[%swap3A_460], %swap3A_463 {strides = array<i32>} : memref<512xi32, #tpu.memory_space<vmem>>, vector<16xi32>,
    %get3A_464 = arith.constant 464 : index
    %get3A_465 = tpu.vector_load %arg5[%get3A_464] {strides = array<i32>} : memref<512xi32, #tpu.memory_space<vmem>>, vector<16xi32>,
    %get3A_466 = vector.shape_cast %get3A_465 : vector<16xi32> to vector<16xi32>
    %add3A_467 = arith.constant 464 : i32
    %add3A_468 = arith.addi %mul3A_2, %add3A_467 : i32
    %iota3A_469 = tpu.iota {dimensions = array<i32: 0>} : vector<16xi32>
    %add3A_470 = vector.broadcast %add3A_468 : i32 to vector<16xi32>
    %add3A_471 = arith.addi %add3A_470, %iota3A_469 : vector<16xi32>
    %mul3A_472 = arith.constant 1000 : i32
    %mul3A_473 = vector.broadcast %mul3A_472 : i32 to vector<16xi32>
    %mul3A_474 = arith.muli %add3A_471, %mul3A_473 : vector<16xi32>
    %add3A_475 = arith.addi %mul3A_474, %get3A_466 : vector<16xi32>
    %swap3A_476 = arith.constant 464 : index
    %swap3A_477 = tpu.vector_load %arg6[%swap3A_476] {strides = array<i32>} : memref<512xi32, #tpu.memory_space<vmem>>, vector<16xi32>,
    %swap3A_478 = vector.shape_cast %swap3A_477 : vector<16xi32> to vector<16xi32>
    %swap3A_479 = vector.shape_cast %add3A_475 : vector<16xi32> to vector<16xi32>
    tpu.vector_store %arg6[%swap3A_476], %swap3A_479 {strides = array<i32>} : memref<512xi32, #tpu.memory_space<vmem>>, vector<16xi32>,
    %get3A_480 = arith.constant 480 : index
    %get3A_481 = tpu.vector_load %arg5[%get3A_480] {strides = array<i32>} : memref<512xi32, #tpu.memory_space<vmem>>, vector<16xi32>,
    %get3A_482 = vector.shape_cast %get3A_481 : vector<16xi32> to vector<16xi32>
    %add3A_483 = arith.constant 480 : i32
    %add3A_484 = arith.addi %mul3A_2, %add3A_483 : i32
    %iota3A_485 = tpu.iota {dimensions = array<i32: 0>} : vector<16xi32>
    %add3A_486 = vector.broadcast %add3A_484 : i32 to vector<16xi32>
    %add3A_487 = arith.addi %add3A_486, %iota3A_485 : vector<16xi32>
    %mul3A_488 = arith.constant 1000 : i32
    %mul3A_489 = vector.broadcast %mul3A_488 : i32 to vector<16xi32>
    %mul3A_490 = arith.muli %add3A_487, %mul3A_489 : vector<16xi32>
    %add3A_491 = arith.addi %mul3A_490, %get3A_482 : vector<16xi32>
    %swap3A_492 = arith.constant 480 : index
    %swap3A_493 = tpu.vector_load %arg6[%swap3A_492] {strides = array<i32>} : memref<512xi32, #tpu.memory_space<vmem>>, vector<16xi32>,
    %swap3A_494 = vector.shape_cast %swap3A_493 : vector<16xi32> to vector<16xi32>
    %swap3A_495 = vector.shape_cast %add3A_491 : vector<16xi32> to vector<16xi32>
    tpu.vector_store %arg6[%swap3A_492], %swap3A_495 {strides = array<i32>} : memref<512xi32, #tpu.memory_space<vmem>>, vector<16xi32>,
    %get3A_496 = arith.constant 496 : index
    %get3A_497 = tpu.vector_load %arg5[%get3A_496] {strides = array<i32>} : memref<512xi32, #tpu.memory_space<vmem>>, vector<16xi32>,
    %get3A_498 = vector.shape_cast %get3A_497 : vector<16xi32> to vector<16xi32>
    %add3A_499 = arith.constant 496 : i32
    %add3A_500 = arith.addi %mul3A_2, %add3A_499 : i32
    %iota3A_501 = tpu.iota {dimensions = array<i32: 0>} : vector<16xi32>
    %add3A_502 = vector.broadcast %add3A_500 : i32 to vector<16xi32>
    %add3A_503 = arith.addi %add3A_502, %iota3A_501 : vector<16xi32>
    %mul3A_504 = arith.constant 1000 : i32
    %mul3A_505 = vector.broadcast %mul3A_504 : i32 to vector<16xi32>
    %mul3A_506 = arith.muli %add3A_503, %mul3A_505 : vector<16xi32>
    %add3A_507 = arith.addi %mul3A_506, %get3A_498 : vector<16xi32>
    %swap3A_508 = arith.constant 496 : index
    %swap3A_509 = tpu.vector_load %arg6[%swap3A_508] {strides = array<i32>} : memref<512xi32, #tpu.memory_space<vmem>>, vector<16xi32>,
    %swap3A_510 = vector.shape_cast %swap3A_509 : vector<16xi32> to vector<16xi32>
    %swap3A_511 = vector.shape_cast %add3A_507 : vector<16xi32> to vector<16xi32>
    tpu.vector_store %arg6[%swap3A_508], %swap3A_511 {strides = array<i32>} : memref<512xi32, #tpu.memory_space<vmem>>, vector<16xi32>,
    %dma_start3A = arith.constant 0 : i32
    %dma_start3A_512 = tpu.memref_slice %arg2[%dma_start3A] : memref<16384000xf32, #tpu.memory_space<hbm>> -> memref<16384000xf32, #tpu.memory_space<hbm>>
    tpu.enqueue_indirect_dma source(%dma_start3A_512 : memref<16384000xf32, #tpu.memory_space<hbm>>) target(%arg7 : memref<512xf32, #tpu.memory_space<vmem>>) offsets(%arg6 : memref<512xi32, #tpu.memory_space<vmem>>) semaphore(%arg9 : memref<!tpu.dma_semaphore, #tpu.memory_space<semaphore_mem>>)
    %dma_wait3A = arith.constant 0 : i32
    %dma_wait3A_513 = tpu.memref_slice %arg2[%dma_wait3A] : memref<16384000xf32, #tpu.memory_space<hbm>> -> memref<16384000xf32, #tpu.memory_space<hbm>>
    tpu.wait_indirect_dma semaphore(%arg9 : memref<!tpu.dma_semaphore, #tpu.memory_space<semaphore_mem>>) src(%dma_wait3A_513 : memref<16384000xf32, #tpu.memory_space<hbm>>) dst(%arg7 : memref<512xf32, #tpu.memory_space<vmem>>)
    %broadcast_in_dim3A = arith.constant 0.000000e+00 : f32
    %broadcast_in_dim3A_514 = vector.broadcast %broadcast_in_dim3A : f32 to vector<16xf32>
    %get3A_515 = arith.constant 0 : index
    %get3A_516 = tpu.vector_load %arg7[%get3A_515] {strides = array<i32>} : memref<512xf32, #tpu.memory_space<vmem>>, vector<16xf32>,
    %get3A_517 = vector.shape_cast %get3A_516 : vector<16xf32> to vector<16xf32>
    %add3A_518 = arith.addf %broadcast_in_dim3A_514, %get3A_517 : vector<16xf32>
    %get3A_519 = arith.constant 16 : index
    %get3A_520 = tpu.vector_load %arg7[%get3A_519] {strides = array<i32>} : memref<512xf32, #tpu.memory_space<vmem>>, vector<16xf32>,
    %get3A_521 = vector.shape_cast %get3A_520 : vector<16xf32> to vector<16xf32>
    %add3A_522 = arith.addf %add3A_518, %get3A_521 : vector<16xf32>
    %get3A_523 = arith.constant 32 : index
    %get3A_524 = tpu.vector_load %arg7[%get3A_523] {strides = array<i32>} : memref<512xf32, #tpu.memory_space<vmem>>, vector<16xf32>,
    %get3A_525 = vector.shape_cast %get3A_524 : vector<16xf32> to vector<16xf32>
    %add3A_526 = arith.addf %add3A_522, %get3A_525 : vector<16xf32>
    %get3A_527 = arith.constant 48 : index
    %get3A_528 = tpu.vector_load %arg7[%get3A_527] {strides = array<i32>} : memref<512xf32, #tpu.memory_space<vmem>>, vector<16xf32>,
    %get3A_529 = vector.shape_cast %get3A_528 : vector<16xf32> to vector<16xf32>
    %add3A_530 = arith.addf %add3A_526, %get3A_529 : vector<16xf32>
    %get3A_531 = arith.constant 64 : index
    %get3A_532 = tpu.vector_load %arg7[%get3A_531] {strides = array<i32>} : memref<512xf32, #tpu.memory_space<vmem>>, vector<16xf32>,
    %get3A_533 = vector.shape_cast %get3A_532 : vector<16xf32> to vector<16xf32>
    %add3A_534 = arith.addf %add3A_530, %get3A_533 : vector<16xf32>
    %get3A_535 = arith.constant 80 : index
    %get3A_536 = tpu.vector_load %arg7[%get3A_535] {strides = array<i32>} : memref<512xf32, #tpu.memory_space<vmem>>, vector<16xf32>,
    %get3A_537 = vector.shape_cast %get3A_536 : vector<16xf32> to vector<16xf32>
    %add3A_538 = arith.addf %add3A_534, %get3A_537 : vector<16xf32>
    %get3A_539 = arith.constant 96 : index
    %get3A_540 = tpu.vector_load %arg7[%get3A_539] {strides = array<i32>} : memref<512xf32, #tpu.memory_space<vmem>>, vector<16xf32>,
    %get3A_541 = vector.shape_cast %get3A_540 : vector<16xf32> to vector<16xf32>
    %add3A_542 = arith.addf %add3A_538, %get3A_541 : vector<16xf32>
    %get3A_543 = arith.constant 112 : index
    %get3A_544 = tpu.vector_load %arg7[%get3A_543] {strides = array<i32>} : memref<512xf32, #tpu.memory_space<vmem>>, vector<16xf32>,
    %get3A_545 = vector.shape_cast %get3A_544 : vector<16xf32> to vector<16xf32>
    %add3A_546 = arith.addf %add3A_542, %get3A_545 : vector<16xf32>
    %get3A_547 = arith.constant 128 : index
    %get3A_548 = tpu.vector_load %arg7[%get3A_547] {strides = array<i32>} : memref<512xf32, #tpu.memory_space<vmem>>, vector<16xf32>,
    %get3A_549 = vector.shape_cast %get3A_548 : vector<16xf32> to vector<16xf32>
    %add3A_550 = arith.addf %add3A_546, %get3A_549 : vector<16xf32>
    %get3A_551 = arith.constant 144 : index
    %get3A_552 = tpu.vector_load %arg7[%get3A_551] {strides = array<i32>} : memref<512xf32, #tpu.memory_space<vmem>>, vector<16xf32>,
    %get3A_553 = vector.shape_cast %get3A_552 : vector<16xf32> to vector<16xf32>
    %add3A_554 = arith.addf %add3A_550, %get3A_553 : vector<16xf32>
    %get3A_555 = arith.constant 160 : index
    %get3A_556 = tpu.vector_load %arg7[%get3A_555] {strides = array<i32>} : memref<512xf32, #tpu.memory_space<vmem>>, vector<16xf32>,
    %get3A_557 = vector.shape_cast %get3A_556 : vector<16xf32> to vector<16xf32>
    %add3A_558 = arith.addf %add3A_554, %get3A_557 : vector<16xf32>
    %get3A_559 = arith.constant 176 : index
    %get3A_560 = tpu.vector_load %arg7[%get3A_559] {strides = array<i32>} : memref<512xf32, #tpu.memory_space<vmem>>, vector<16xf32>,
    %get3A_561 = vector.shape_cast %get3A_560 : vector<16xf32> to vector<16xf32>
    %add3A_562 = arith.addf %add3A_558, %get3A_561 : vector<16xf32>
    %get3A_563 = arith.constant 192 : index
    %get3A_564 = tpu.vector_load %arg7[%get3A_563] {strides = array<i32>} : memref<512xf32, #tpu.memory_space<vmem>>, vector<16xf32>,
    %get3A_565 = vector.shape_cast %get3A_564 : vector<16xf32> to vector<16xf32>
    %add3A_566 = arith.addf %add3A_562, %get3A_565 : vector<16xf32>
    %get3A_567 = arith.constant 208 : index
    %get3A_568 = tpu.vector_load %arg7[%get3A_567] {strides = array<i32>} : memref<512xf32, #tpu.memory_space<vmem>>, vector<16xf32>,
    %get3A_569 = vector.shape_cast %get3A_568 : vector<16xf32> to vector<16xf32>
    %add3A_570 = arith.addf %add3A_566, %get3A_569 : vector<16xf32>
    %get3A_571 = arith.constant 224 : index
    %get3A_572 = tpu.vector_load %arg7[%get3A_571] {strides = array<i32>} : memref<512xf32, #tpu.memory_space<vmem>>, vector<16xf32>,
    %get3A_573 = vector.shape_cast %get3A_572 : vector<16xf32> to vector<16xf32>
    %add3A_574 = arith.addf %add3A_570, %get3A_573 : vector<16xf32>
    %get3A_575 = arith.constant 240 : index
    %get3A_576 = tpu.vector_load %arg7[%get3A_575] {strides = array<i32>} : memref<512xf32, #tpu.memory_space<vmem>>, vector<16xf32>,
    %get3A_577 = vector.shape_cast %get3A_576 : vector<16xf32> to vector<16xf32>
    %add3A_578 = arith.addf %add3A_574, %get3A_577 : vector<16xf32>
    %get3A_579 = arith.constant 256 : index
    %get3A_580 = tpu.vector_load %arg7[%get3A_579] {strides = array<i32>} : memref<512xf32, #tpu.memory_space<vmem>>, vector<16xf32>,
    %get3A_581 = vector.shape_cast %get3A_580 : vector<16xf32> to vector<16xf32>
    %add3A_582 = arith.addf %add3A_578, %get3A_581 : vector<16xf32>
    %get3A_583 = arith.constant 272 : index
    %get3A_584 = tpu.vector_load %arg7[%get3A_583] {strides = array<i32>} : memref<512xf32, #tpu.memory_space<vmem>>, vector<16xf32>,
    %get3A_585 = vector.shape_cast %get3A_584 : vector<16xf32> to vector<16xf32>
    %add3A_586 = arith.addf %add3A_582, %get3A_585 : vector<16xf32>
    %get3A_587 = arith.constant 288 : index
    %get3A_588 = tpu.vector_load %arg7[%get3A_587] {strides = array<i32>} : memref<512xf32, #tpu.memory_space<vmem>>, vector<16xf32>,
    %get3A_589 = vector.shape_cast %get3A_588 : vector<16xf32> to vector<16xf32>
    %add3A_590 = arith.addf %add3A_586, %get3A_589 : vector<16xf32>
    %get3A_591 = arith.constant 304 : index
    %get3A_592 = tpu.vector_load %arg7[%get3A_591] {strides = array<i32>} : memref<512xf32, #tpu.memory_space<vmem>>, vector<16xf32>,
    %get3A_593 = vector.shape_cast %get3A_592 : vector<16xf32> to vector<16xf32>
    %add3A_594 = arith.addf %add3A_590, %get3A_593 : vector<16xf32>
    %get3A_595 = arith.constant 320 : index
    %get3A_596 = tpu.vector_load %arg7[%get3A_595] {strides = array<i32>} : memref<512xf32, #tpu.memory_space<vmem>>, vector<16xf32>,
    %get3A_597 = vector.shape_cast %get3A_596 : vector<16xf32> to vector<16xf32>
    %add3A_598 = arith.addf %add3A_594, %get3A_597 : vector<16xf32>
    %get3A_599 = arith.constant 336 : index
    %get3A_600 = tpu.vector_load %arg7[%get3A_599] {strides = array<i32>} : memref<512xf32, #tpu.memory_space<vmem>>, vector<16xf32>,
    %get3A_601 = vector.shape_cast %get3A_600 : vector<16xf32> to vector<16xf32>
    %add3A_602 = arith.addf %add3A_598, %get3A_601 : vector<16xf32>
    %get3A_603 = arith.constant 352 : index
    %get3A_604 = tpu.vector_load %arg7[%get3A_603] {strides = array<i32>} : memref<512xf32, #tpu.memory_space<vmem>>, vector<16xf32>,
    %get3A_605 = vector.shape_cast %get3A_604 : vector<16xf32> to vector<16xf32>
    %add3A_606 = arith.addf %add3A_602, %get3A_605 : vector<16xf32>
    %get3A_607 = arith.constant 368 : index
    %get3A_608 = tpu.vector_load %arg7[%get3A_607] {strides = array<i32>} : memref<512xf32, #tpu.memory_space<vmem>>, vector<16xf32>,
    %get3A_609 = vector.shape_cast %get3A_608 : vector<16xf32> to vector<16xf32>
    %add3A_610 = arith.addf %add3A_606, %get3A_609 : vector<16xf32>
    %get3A_611 = arith.constant 384 : index
    %get3A_612 = tpu.vector_load %arg7[%get3A_611] {strides = array<i32>} : memref<512xf32, #tpu.memory_space<vmem>>, vector<16xf32>,
    %get3A_613 = vector.shape_cast %get3A_612 : vector<16xf32> to vector<16xf32>
    %add3A_614 = arith.addf %add3A_610, %get3A_613 : vector<16xf32>
    %get3A_615 = arith.constant 400 : index
    %get3A_616 = tpu.vector_load %arg7[%get3A_615] {strides = array<i32>} : memref<512xf32, #tpu.memory_space<vmem>>, vector<16xf32>,
    %get3A_617 = vector.shape_cast %get3A_616 : vector<16xf32> to vector<16xf32>
    %add3A_618 = arith.addf %add3A_614, %get3A_617 : vector<16xf32>
    %get3A_619 = arith.constant 416 : index
    %get3A_620 = tpu.vector_load %arg7[%get3A_619] {strides = array<i32>} : memref<512xf32, #tpu.memory_space<vmem>>, vector<16xf32>,
    %get3A_621 = vector.shape_cast %get3A_620 : vector<16xf32> to vector<16xf32>
    %add3A_622 = arith.addf %add3A_618, %get3A_621 : vector<16xf32>
    %get3A_623 = arith.constant 432 : index
    %get3A_624 = tpu.vector_load %arg7[%get3A_623] {strides = array<i32>} : memref<512xf32, #tpu.memory_space<vmem>>, vector<16xf32>,
    %get3A_625 = vector.shape_cast %get3A_624 : vector<16xf32> to vector<16xf32>
    %add3A_626 = arith.addf %add3A_622, %get3A_625 : vector<16xf32>
    %get3A_627 = arith.constant 448 : index
    %get3A_628 = tpu.vector_load %arg7[%get3A_627] {strides = array<i32>} : memref<512xf32, #tpu.memory_space<vmem>>, vector<16xf32>,
    %get3A_629 = vector.shape_cast %get3A_628 : vector<16xf32> to vector<16xf32>
    %add3A_630 = arith.addf %add3A_626, %get3A_629 : vector<16xf32>
    %get3A_631 = arith.constant 464 : index
    %get3A_632 = tpu.vector_load %arg7[%get3A_631] {strides = array<i32>} : memref<512xf32, #tpu.memory_space<vmem>>, vector<16xf32>,
    %get3A_633 = vector.shape_cast %get3A_632 : vector<16xf32> to vector<16xf32>
    %add3A_634 = arith.addf %add3A_630, %get3A_633 : vector<16xf32>
    %get3A_635 = arith.constant 480 : index
    %get3A_636 = tpu.vector_load %arg7[%get3A_635] {strides = array<i32>} : memref<512xf32, #tpu.memory_space<vmem>>, vector<16xf32>,
    %get3A_637 = vector.shape_cast %get3A_636 : vector<16xf32> to vector<16xf32>
    %add3A_638 = arith.addf %add3A_634, %get3A_637 : vector<16xf32>
    %get3A_639 = arith.constant 496 : index
    %get3A_640 = tpu.vector_load %arg7[%get3A_639] {strides = array<i32>} : memref<512xf32, #tpu.memory_space<vmem>>, vector<16xf32>,
    %get3A_641 = vector.shape_cast %get3A_640 : vector<16xf32> to vector<16xf32>
    %add3A_642 = arith.addf %add3A_638, %get3A_641 : vector<16xf32>
    %swap3A_643 = arith.constant 0 : index
    %swap3A_644 = tpu.vector_load %arg8[%swap3A_643] {strides = array<i32>} : memref<16xf32, #tpu.memory_space<vmem>>, vector<16xf32>,
    %swap3A_645 = vector.shape_cast %swap3A_644 : vector<16xf32> to vector<16xf32>
    %swap3A_646 = vector.shape_cast %add3A_642 : vector<16xf32> to vector<16xf32>
    tpu.vector_store %arg8[%swap3A_643], %swap3A_646 {strides = array<i32>} : memref<16xf32, #tpu.memory_space<vmem>>, vector<16xf32>,
    "tpu.region"() ({
      %run_scoped3A = tpu.sem_alloc : memref<!tpu.dma_semaphore, #tpu.memory_space<semaphore_mem>>
      %dma_start3A_647 = arith.constant 0 : i32
      %dma_start3A_648 = tpu.memref_slice %arg4[%add3A, %dma_start3A_647] : memref<32x16xf32, #tpu.memory_space<hbm>> -> memref<1x16xf32, #tpu.memory_space<hbm>>
      %dma_start3A_649 = tpu.memref_squeeze %dma_start3A_648 : memref<1x16xf32, #tpu.memory_space<hbm>> -> memref<16xf32, #tpu.memory_space<hbm>>
      %dma_start3A_650 = arith.constant 0 : i32
      %dma_start3A_651 = tpu.memref_slice %arg4[%add3A, %dma_start3A_650] : memref<32x16xf32, #tpu.memory_space<hbm>> -> memref<1x16xf32, #tpu.memory_space<hbm>>
      %dma_start3A_652 = tpu.memref_squeeze %dma_start3A_651 : memref<1x16xf32, #tpu.memory_space<hbm>> -> memref<16xf32, #tpu.memory_space<hbm>>
      tpu.enqueue_dma source(%arg8 : memref<16xf32, #tpu.memory_space<vmem>>) target(%dma_start3A_652 : memref<16xf32, #tpu.memory_space<hbm>>) target_semaphore(%run_scoped3A : memref<!tpu.dma_semaphore, #tpu.memory_space<semaphore_mem>>)
      %dma_wait3A_653 = arith.constant 0 : i32
      %dma_wait3A_654 = tpu.memref_slice %arg4[%add3A, %dma_wait3A_653] : memref<32x16xf32, #tpu.memory_space<hbm>> -> memref<1x16xf32, #tpu.memory_space<hbm>>
      %dma_wait3A_655 = tpu.memref_squeeze %dma_wait3A_654 : memref<1x16xf32, #tpu.memory_space<hbm>> -> memref<16xf32, #tpu.memory_space<hbm>>
      %dma_wait3A_656 = arith.constant 0 : i32
      %dma_wait3A_657 = tpu.memref_slice %arg4[%add3A, %dma_wait3A_656] : memref<32x16xf32, #tpu.memory_space<hbm>> -> memref<1x16xf32, #tpu.memory_space<hbm>>
      %dma_wait3A_658 = tpu.memref_squeeze %dma_wait3A_657 : memref<1x16xf32, #tpu.memory_space<hbm>> -> memref<16xf32, #tpu.memory_space<hbm>>
      tpu.wait_dma2 semaphore(%run_scoped3A : memref<!tpu.dma_semaphore, #tpu.memory_space<semaphore_mem>>) src(%arg8 : memref<16xf32, #tpu.memory_space<vmem>>) dst(%dma_wait3A_658 : memref<16xf32, #tpu.memory_space<hbm>>)
      tpu.yield
    }) : () -> ()
    return
  }
}

module attributes {stable_mosaic.version = 14 : i64} {
  func.func @_loss_block(%arg0: i32, %arg1: memref<256x1000xf32, #tpu.memory_space<vmem>>, %arg2: memref<1x1x1xf32, #tpu.memory_space<vmem>>) attributes {dimension_semantics = [#tpu.dimension_semantics<parallel>], iteration_bounds = array<i64: 64>, scalar_prefetch = 0 : i64, scratch_operands = 0 : i64, tpu.core_type = #tpu.core_type<tc>, window_params = [{transform_indices = @transform_0, window_bounds = array<i64: 256, 1000>}, {transform_indices = @transform_1, window_bounds = array<i64: 1, 1, 1>}]} {
    %get3A = arith.constant 0 : index
    %get3A_0 = arith.constant 0 : index
    %get3A_1 = vector.load %arg1[%get3A, %get3A_0] : memref<256x1000xf32, #tpu.memory_space<vmem>>, vector<256x1000xf32>
    %reduce_max3A = arith.constant dense<0xFF800000> : vector<256xf32>
    %reduce_max3A_2 = vector.multi_reduction <maximumf>, %get3A_1, %reduce_max3A [1] : vector<256x1000xf32> to vector<256xf32>
    %broadcast_in_dim3A = vector.shape_cast %reduce_max3A_2 : vector<256xf32> to vector<256x1xf32>
    %sub3A = vector.broadcast %broadcast_in_dim3A : vector<256x1xf32> to vector<256x1000xf32>
    %sub3A_3 = arith.subf %get3A_1, %sub3A : vector<256x1000xf32>
    %mul3A = arith.constant 5.000000e-01 : f32
    %mul3A_4 = vector.broadcast %mul3A : f32 to vector<256x1000xf32>
    %mul3A_5 = arith.mulf %sub3A_3, %mul3A_4 : vector<256x1000xf32>
    %broadcast_in_dim3A_6 = arith.constant -1.000000e+00 : f32
    %broadcast_in_dim3A_7 = vector.broadcast %broadcast_in_dim3A_6 : f32 to vector<256x1xf32>
    %broadcast_in_dim3A_8 = arith.constant 0.000000e+00 : f32
    %broadcast_in_dim3A_9 = vector.broadcast %broadcast_in_dim3A_8 : f32 to vector<256x1xf32>
    %add3A = arith.addf %broadcast_in_dim3A_7, %broadcast_in_dim3A_9 : vector<256x1xf32>
    %mul3A_10 = arith.constant 5.000000e-01 : f32
    %mul3A_11 = vector.broadcast %mul3A_10 : f32 to vector<256x1xf32>
    %mul3A_12 = arith.mulf %add3A, %mul3A_11 : vector<256x1xf32>
    %sub3A_13 = vector.broadcast %mul3A_12 : vector<256x1xf32> to vector<256x1000xf32>
    %sub3A_14 = arith.subf %mul3A_5, %sub3A_13 : vector<256x1000xf32>
    %max3A = arith.constant 0.000000e+00 : f32
    %max3A_15 = vector.broadcast %max3A : f32 to vector<256x1000xf32>
    %max3A_16 = arith.maximumf %sub3A_14, %max3A_15 : vector<256x1000xf32>
    %mul3A_17 = arith.mulf %max3A_16, %max3A_16 : vector<256x1000xf32>
    %reduce_sum3A = arith.constant dense<0.000000e+00> : vector<256xf32>
    %reduce_sum3A_18 = vector.multi_reduction <add>, %mul3A_17, %reduce_sum3A [1] : vector<256x1000xf32> to vector<256xf32>
    %broadcast_in_dim3A_19 = vector.shape_cast %reduce_sum3A_18 : vector<256xf32> to vector<256x1xf32>
    %gt3A = arith.constant 1.000000e+00 : f32
    %gt3A_20 = vector.broadcast %gt3A : f32 to vector<256x1xf32>
    %gt3A_21 = arith.cmpf ogt, %broadcast_in_dim3A_19, %gt3A_20 : vector<256x1xf32>
    %select_n3A = arith.select %gt3A_21, %mul3A_12, %broadcast_in_dim3A_7 : vector<256x1xi1>, vector<256x1xf32>
    %select_n3A_22 = arith.select %gt3A_21, %broadcast_in_dim3A_9, %mul3A_12 : vector<256x1xi1>, vector<256x1xf32>
    %add3A_23 = arith.addf %select_n3A, %select_n3A_22 : vector<256x1xf32>
    %mul3A_24 = arith.constant 5.000000e-01 : f32
    %mul3A_25 = vector.broadcast %mul3A_24 : f32 to vector<256x1xf32>
    %mul3A_26 = arith.mulf %add3A_23, %mul3A_25 : vector<256x1xf32>
    %sub3A_27 = vector.broadcast %mul3A_26 : vector<256x1xf32> to vector<256x1000xf32>
    %sub3A_28 = arith.subf %mul3A_5, %sub3A_27 : vector<256x1000xf32>
    %max3A_29 = arith.constant 0.000000e+00 : f32
    %max3A_30 = vector.broadcast %max3A_29 : f32 to vector<256x1000xf32>
    %max3A_31 = arith.maximumf %sub3A_28, %max3A_30 : vector<256x1000xf32>
    %mul3A_32 = arith.mulf %max3A_31, %max3A_31 : vector<256x1000xf32>
    %reduce_sum3A_33 = arith.constant dense<0.000000e+00> : vector<256xf32>
    %reduce_sum3A_34 = vector.multi_reduction <add>, %mul3A_32, %reduce_sum3A_33 [1] : vector<256x1000xf32> to vector<256xf32>
    %broadcast_in_dim3A_35 = vector.shape_cast %reduce_sum3A_34 : vector<256xf32> to vector<256x1xf32>
    %gt3A_36 = arith.constant 1.000000e+00 : f32
    %gt3A_37 = vector.broadcast %gt3A_36 : f32 to vector<256x1xf32>
    %gt3A_38 = arith.cmpf ogt, %broadcast_in_dim3A_35, %gt3A_37 : vector<256x1xf32>
    %select_n3A_39 = arith.select %gt3A_38, %mul3A_26, %select_n3A : vector<256x1xi1>, vector<256x1xf32>
    %select_n3A_40 = arith.select %gt3A_38, %select_n3A_22, %mul3A_26 : vector<256x1xi1>, vector<256x1xf32>
    %add3A_41 = arith.addf %select_n3A_39, %select_n3A_40 : vector<256x1xf32>
    %mul3A_42 = arith.constant 5.000000e-01 : f32
    %mul3A_43 = vector.broadcast %mul3A_42 : f32 to vector<256x1xf32>
    %mul3A_44 = arith.mulf %add3A_41, %mul3A_43 : vector<256x1xf32>
    %sub3A_45 = vector.broadcast %mul3A_44 : vector<256x1xf32> to vector<256x1000xf32>
    %sub3A_46 = arith.subf %mul3A_5, %sub3A_45 : vector<256x1000xf32>
    %max3A_47 = arith.constant 0.000000e+00 : f32
    %max3A_48 = vector.broadcast %max3A_47 : f32 to vector<256x1000xf32>
    %max3A_49 = arith.maximumf %sub3A_46, %max3A_48 : vector<256x1000xf32>
    %mul3A_50 = arith.mulf %max3A_49, %max3A_49 : vector<256x1000xf32>
    %reduce_sum3A_51 = arith.constant dense<0.000000e+00> : vector<256xf32>
    %reduce_sum3A_52 = vector.multi_reduction <add>, %mul3A_50, %reduce_sum3A_51 [1] : vector<256x1000xf32> to vector<256xf32>
    %broadcast_in_dim3A_53 = vector.shape_cast %reduce_sum3A_52 : vector<256xf32> to vector<256x1xf32>
    %gt3A_54 = arith.constant 1.000000e+00 : f32
    %gt3A_55 = vector.broadcast %gt3A_54 : f32 to vector<256x1xf32>
    %gt3A_56 = arith.cmpf ogt, %broadcast_in_dim3A_53, %gt3A_55 : vector<256x1xf32>
    %select_n3A_57 = arith.select %gt3A_56, %mul3A_44, %select_n3A_39 : vector<256x1xi1>, vector<256x1xf32>
    %select_n3A_58 = arith.select %gt3A_56, %select_n3A_40, %mul3A_44 : vector<256x1xi1>, vector<256x1xf32>
    %add3A_59 = arith.addf %select_n3A_57, %select_n3A_58 : vector<256x1xf32>
    %mul3A_60 = arith.constant 5.000000e-01 : f32
    %mul3A_61 = vector.broadcast %mul3A_60 : f32 to vector<256x1xf32>
    %mul3A_62 = arith.mulf %add3A_59, %mul3A_61 : vector<256x1xf32>
    %sub3A_63 = vector.broadcast %mul3A_62 : vector<256x1xf32> to vector<256x1000xf32>
    %sub3A_64 = arith.subf %mul3A_5, %sub3A_63 : vector<256x1000xf32>
    %max3A_65 = arith.constant 0.000000e+00 : f32
    %max3A_66 = vector.broadcast %max3A_65 : f32 to vector<256x1000xf32>
    %max3A_67 = arith.maximumf %sub3A_64, %max3A_66 : vector<256x1000xf32>
    %mul3A_68 = arith.mulf %max3A_67, %max3A_67 : vector<256x1000xf32>
    %reduce_sum3A_69 = arith.constant dense<0.000000e+00> : vector<256xf32>
    %reduce_sum3A_70 = vector.multi_reduction <add>, %mul3A_68, %reduce_sum3A_69 [1] : vector<256x1000xf32> to vector<256xf32>
    %broadcast_in_dim3A_71 = vector.shape_cast %reduce_sum3A_70 : vector<256xf32> to vector<256x1xf32>
    %gt3A_72 = arith.constant 1.000000e+00 : f32
    %gt3A_73 = vector.broadcast %gt3A_72 : f32 to vector<256x1xf32>
    %gt3A_74 = arith.cmpf ogt, %broadcast_in_dim3A_71, %gt3A_73 : vector<256x1xf32>
    %select_n3A_75 = arith.select %gt3A_74, %mul3A_62, %select_n3A_57 : vector<256x1xi1>, vector<256x1xf32>
    %select_n3A_76 = arith.select %gt3A_74, %select_n3A_58, %mul3A_62 : vector<256x1xi1>, vector<256x1xf32>
    %add3A_77 = arith.addf %select_n3A_75, %select_n3A_76 : vector<256x1xf32>
    %mul3A_78 = arith.constant 5.000000e-01 : f32
    %mul3A_79 = vector.broadcast %mul3A_78 : f32 to vector<256x1xf32>
    %mul3A_80 = arith.mulf %add3A_77, %mul3A_79 : vector<256x1xf32>
    %sub3A_81 = vector.broadcast %mul3A_80 : vector<256x1xf32> to vector<256x1000xf32>
    %sub3A_82 = arith.subf %mul3A_5, %sub3A_81 : vector<256x1000xf32>
    %max3A_83 = arith.constant 0.000000e+00 : f32
    %max3A_84 = vector.broadcast %max3A_83 : f32 to vector<256x1000xf32>
    %max3A_85 = arith.maximumf %sub3A_82, %max3A_84 : vector<256x1000xf32>
    %mul3A_86 = arith.mulf %max3A_85, %max3A_85 : vector<256x1000xf32>
    %reduce_sum3A_87 = arith.constant dense<0.000000e+00> : vector<256xf32>
    %reduce_sum3A_88 = vector.multi_reduction <add>, %mul3A_86, %reduce_sum3A_87 [1] : vector<256x1000xf32> to vector<256xf32>
    %broadcast_in_dim3A_89 = vector.shape_cast %reduce_sum3A_88 : vector<256xf32> to vector<256x1xf32>
    %gt3A_90 = arith.constant 1.000000e+00 : f32
    %gt3A_91 = vector.broadcast %gt3A_90 : f32 to vector<256x1xf32>
    %gt3A_92 = arith.cmpf ogt, %broadcast_in_dim3A_89, %gt3A_91 : vector<256x1xf32>
    %select_n3A_93 = arith.select %gt3A_92, %mul3A_80, %select_n3A_75 : vector<256x1xi1>, vector<256x1xf32>
    %select_n3A_94 = arith.select %gt3A_92, %select_n3A_76, %mul3A_80 : vector<256x1xi1>, vector<256x1xf32>
    %add3A_95 = arith.addf %select_n3A_93, %select_n3A_94 : vector<256x1xf32>
    %mul3A_96 = arith.constant 5.000000e-01 : f32
    %mul3A_97 = vector.broadcast %mul3A_96 : f32 to vector<256x1xf32>
    %mul3A_98 = arith.mulf %add3A_95, %mul3A_97 : vector<256x1xf32>
    %sub3A_99 = vector.broadcast %mul3A_98 : vector<256x1xf32> to vector<256x1000xf32>
    %sub3A_100 = arith.subf %mul3A_5, %sub3A_99 : vector<256x1000xf32>
    %max3A_101 = arith.constant 0.000000e+00 : f32
    %max3A_102 = vector.broadcast %max3A_101 : f32 to vector<256x1000xf32>
    %max3A_103 = arith.maximumf %sub3A_100, %max3A_102 : vector<256x1000xf32>
    %mul3A_104 = arith.mulf %max3A_103, %max3A_103 : vector<256x1000xf32>
    %reduce_sum3A_105 = arith.constant dense<0.000000e+00> : vector<256xf32>
    %reduce_sum3A_106 = vector.multi_reduction <add>, %mul3A_104, %reduce_sum3A_105 [1] : vector<256x1000xf32> to vector<256xf32>
    %broadcast_in_dim3A_107 = vector.shape_cast %reduce_sum3A_106 : vector<256xf32> to vector<256x1xf32>
    %gt3A_108 = arith.constant 1.000000e+00 : f32
    %gt3A_109 = vector.broadcast %gt3A_108 : f32 to vector<256x1xf32>
    %gt3A_110 = arith.cmpf ogt, %broadcast_in_dim3A_107, %gt3A_109 : vector<256x1xf32>
    %select_n3A_111 = arith.select %gt3A_110, %mul3A_98, %select_n3A_93 : vector<256x1xi1>, vector<256x1xf32>
    %select_n3A_112 = arith.select %gt3A_110, %select_n3A_94, %mul3A_98 : vector<256x1xi1>, vector<256x1xf32>
    %add3A_113 = arith.addf %select_n3A_111, %select_n3A_112 : vector<256x1xf32>
    %mul3A_114 = arith.constant 5.000000e-01 : f32
    %mul3A_115 = vector.broadcast %mul3A_114 : f32 to vector<256x1xf32>
    %mul3A_116 = arith.mulf %add3A_113, %mul3A_115 : vector<256x1xf32>
    %gt3A_117 = vector.broadcast %mul3A_116 : vector<256x1xf32> to vector<256x1000xf32>
    %gt3A_118 = arith.cmpf ogt, %mul3A_5, %gt3A_117 : vector<256x1000xf32>
    %jit3A = arith.constant 1.000000e+00 : f32
    %jit3A_119 = arith.constant 0.000000e+00 : f32
    %broadcast_in_dim3A_120 = vector.broadcast %jit3A : f32 to vector<256x1000xf32>
    %broadcast_in_dim3A_121 = vector.broadcast %jit3A_119 : f32 to vector<256x1000xf32>
    %select_n3A_122 = arith.select %gt3A_118, %broadcast_in_dim3A_120, %broadcast_in_dim3A_121 : vector<256x1000xi1>, vector<256x1000xf32>
    %mul3A_123 = arith.mulf %select_n3A_122, %mul3A_5 : vector<256x1000xf32>
    %reduce_sum3A_124 = arith.constant dense<0.000000e+00> : vector<256xf32>
    %reduce_sum3A_125 = vector.multi_reduction <add>, %select_n3A_122, %reduce_sum3A_124 [1] : vector<256x1000xf32> to vector<256xf32>
    %broadcast_in_dim3A_126 = vector.shape_cast %reduce_sum3A_125 : vector<256xf32> to vector<256x1xf32>
    %reduce_sum3A_127 = arith.constant dense<0.000000e+00> : vector<256xf32>
    %reduce_sum3A_128 = vector.multi_reduction <add>, %mul3A_123, %reduce_sum3A_127 [1] : vector<256x1000xf32> to vector<256xf32>
    %broadcast_in_dim3A_129 = vector.shape_cast %reduce_sum3A_128 : vector<256xf32> to vector<256x1xf32>
    %mul3A_130 = arith.mulf %mul3A_123, %mul3A_5 : vector<256x1000xf32>
    %reduce_sum3A_131 = arith.constant dense<0.000000e+00> : vector<256xf32>
    %reduce_sum3A_132 = vector.multi_reduction <add>, %mul3A_130, %reduce_sum3A_131 [1] : vector<256x1000xf32> to vector<256xf32>
    %broadcast_in_dim3A_133 = vector.shape_cast %reduce_sum3A_132 : vector<256xf32> to vector<256x1xf32>
    %div3A = arith.divf %broadcast_in_dim3A_129, %broadcast_in_dim3A_126 : vector<256x1xf32>
    %mul3A_134 = arith.mulf %broadcast_in_dim3A_129, %div3A : vector<256x1xf32>
    %sub3A_135 = arith.subf %broadcast_in_dim3A_133, %mul3A_134 : vector<256x1xf32>
    %sub3A_136 = arith.constant 1.000000e+00 : f32
    %sub3A_137 = vector.broadcast %sub3A_136 : f32 to vector<256x1xf32>
    %sub3A_138 = arith.subf %sub3A_137, %sub3A_135 : vector<256x1xf32>
    %div3A_139 = arith.divf %sub3A_138, %broadcast_in_dim3A_126 : vector<256x1xf32>
    %max3A_140 = arith.constant 0.000000e+00 : f32
    %max3A_141 = vector.broadcast %max3A_140 : f32 to vector<256x1xf32>
    %max3A_142 = arith.maximumf %div3A_139, %max3A_141 : vector<256x1xf32>
    %sqrt3A = math.sqrt %max3A_142 : vector<256x1xf32>
    %sub3A_143 = arith.subf %div3A, %sqrt3A : vector<256x1xf32>
    %gt3A_144 = vector.broadcast %sub3A_143 : vector<256x1xf32> to vector<256x1000xf32>
    %gt3A_145 = arith.cmpf ogt, %mul3A_5, %gt3A_144 : vector<256x1000xf32>
    %jit3A_146 = arith.constant 1.000000e+00 : f32
    %jit3A_147 = arith.constant 0.000000e+00 : f32
    %broadcast_in_dim3A_148 = vector.broadcast %jit3A_146 : f32 to vector<256x1000xf32>
    %broadcast_in_dim3A_149 = vector.broadcast %jit3A_147 : f32 to vector<256x1000xf32>
    %select_n3A_150 = arith.select %gt3A_145, %broadcast_in_dim3A_148, %broadcast_in_dim3A_149 : vector<256x1000xi1>, vector<256x1000xf32>
    %mul3A_151 = arith.mulf %select_n3A_150, %mul3A_5 : vector<256x1000xf32>
    %reduce_sum3A_152 = arith.constant dense<0.000000e+00> : vector<256xf32>
    %reduce_sum3A_153 = vector.multi_reduction <add>, %select_n3A_150, %reduce_sum3A_152 [1] : vector<256x1000xf32> to vector<256xf32>
    %broadcast_in_dim3A_154 = vector.shape_cast %reduce_sum3A_153 : vector<256xf32> to vector<256x1xf32>
    %reduce_sum3A_155 = arith.constant dense<0.000000e+00> : vector<256xf32>
    %reduce_sum3A_156 = vector.multi_reduction <add>, %mul3A_151, %reduce_sum3A_155 [1] : vector<256x1000xf32> to vector<256xf32>
    %broadcast_in_dim3A_157 = vector.shape_cast %reduce_sum3A_156 : vector<256xf32> to vector<256x1xf32>
    %mul3A_158 = arith.mulf %mul3A_151, %mul3A_5 : vector<256x1000xf32>
    %reduce_sum3A_159 = arith.constant dense<0.000000e+00> : vector<256xf32>
    %reduce_sum3A_160 = vector.multi_reduction <add>, %mul3A_158, %reduce_sum3A_159 [1] : vector<256x1000xf32> to vector<256xf32>
    %broadcast_in_dim3A_161 = vector.shape_cast %reduce_sum3A_160 : vector<256xf32> to vector<256x1xf32>
    %div3A_162 = arith.divf %broadcast_in_dim3A_157, %broadcast_in_dim3A_154 : vector<256x1xf32>
    %mul3A_163 = arith.mulf %broadcast_in_dim3A_157, %div3A_162 : vector<256x1xf32>
    %sub3A_164 = arith.subf %broadcast_in_dim3A_161, %mul3A_163 : vector<256x1xf32>
    %sub3A_165 = arith.constant 1.000000e+00 : f32
    %sub3A_166 = vector.broadcast %sub3A_165 : f32 to vector<256x1xf32>
    %sub3A_167 = arith.subf %sub3A_166, %sub3A_164 : vector<256x1xf32>
    %div3A_168 = arith.divf %sub3A_167, %broadcast_in_dim3A_154 : vector<256x1xf32>
    %max3A_169 = arith.constant 0.000000e+00 : f32
    %max3A_170 = vector.broadcast %max3A_169 : f32 to vector<256x1xf32>
    %max3A_171 = arith.maximumf %div3A_168, %max3A_170 : vector<256x1xf32>
    %sqrt3A_172 = math.sqrt %max3A_171 : vector<256x1xf32>
    %sub3A_173 = arith.subf %div3A_162, %sqrt3A_172 : vector<256x1xf32>
    %sub3A_174 = vector.broadcast %sub3A_173 : vector<256x1xf32> to vector<256x1000xf32>
    %sub3A_175 = arith.subf %mul3A_5, %sub3A_174 : vector<256x1000xf32>
    %max3A_176 = arith.constant 0.000000e+00 : f32
    %max3A_177 = vector.broadcast %max3A_176 : f32 to vector<256x1000xf32>
    %max3A_178 = arith.maximumf %sub3A_175, %max3A_177 : vector<256x1000xf32>
    %mul3A_179 = arith.mulf %max3A_178, %max3A_178 : vector<256x1000xf32>
    %mul3A_180 = arith.mulf %mul3A_179, %max3A_178 : vector<256x1000xf32>
    %reduce_sum3A_181 = arith.constant dense<0.000000e+00> : vector<256xf32>
    %reduce_sum3A_182 = vector.multi_reduction <add>, %mul3A_180, %reduce_sum3A_181 [1] : vector<256x1000xf32> to vector<256xf32>
    %broadcast_in_dim3A_183 = vector.shape_cast %reduce_sum3A_182 : vector<256xf32> to vector<256x1xf32>
    %mul3A_184 = arith.mulf %mul3A_179, %get3A_1 : vector<256x1000xf32>
    %reduce_sum3A_185 = arith.constant dense<0.000000e+00> : vector<256xf32>
    %reduce_sum3A_186 = vector.multi_reduction <add>, %mul3A_184, %reduce_sum3A_185 [1] : vector<256x1000xf32> to vector<256xf32>
    %broadcast_in_dim3A_187 = vector.shape_cast %reduce_sum3A_186 : vector<256xf32> to vector<256x1xf32>
    %sub3A_188 = arith.constant 1.000000e+00 : f32
    %sub3A_189 = vector.broadcast %sub3A_188 : f32 to vector<256x1xf32>
    %sub3A_190 = arith.subf %sub3A_189, %broadcast_in_dim3A_183 : vector<256x1xf32>
    %mul3A_191 = arith.constant 1.33333337 : f32
    %mul3A_192 = vector.broadcast %mul3A_191 : f32 to vector<256x1xf32>
    %mul3A_193 = arith.mulf %sub3A_190, %mul3A_192 : vector<256x1xf32>
    %add3A_194 = arith.addf %mul3A_193, %broadcast_in_dim3A_187 : vector<256x1xf32>
    %reduce_sum3A_195 = vector.shape_cast %add3A_194 : vector<256x1xf32> to vector<1x256x1xf32>
    %reduce_sum3A_196 = arith.constant dense<0.000000e+00> : vector<1xf32>
    %reduce_sum3A_197 = vector.multi_reduction <add>, %reduce_sum3A_195, %reduce_sum3A_196 [1, 2] : vector<1x256x1xf32> to vector<1xf32>
    %reduce_sum3A_198 = vector.shape_cast %reduce_sum3A_197 : vector<1xf32> to vector<1x1x1xf32>
    %reduce_sum3A_199 = vector.extract %reduce_sum3A_198[0, 0, 0] : f32 from vector<1x1x1xf32>
    %reshape3A = vector.broadcast %reduce_sum3A_199 : f32 to vector<1x1x1xf32>
    %swap3A = arith.constant 0 : index
    %swap3A_200 = arith.constant 0 : index
    %swap3A_201 = arith.constant 0 : index
    %swap3A_202 = vector.load %arg2[%swap3A, %swap3A_200, %swap3A_201] : memref<1x1x1xf32, #tpu.memory_space<vmem>>, vector<1x1x1xf32>
    tpu.vector_store %arg2[%swap3A, %swap3A_200, %swap3A_201], %reshape3A {strides = array<i32>} : memref<1x1x1xf32, #tpu.memory_space<vmem>>, vector<1x1x1xf32>,
    return
  }
  func.func @transform_0(%arg0: i32) -> (i32, i32) {
    %c0_i32 = arith.constant 0 : i32
    %c0_i32_0 = arith.constant 0 : i32
    return %arg0, %c0_i32 : i32, i32
  }
  func.func @transform_1(%arg0: i32) -> (i32, i32, i32) {
    %c0_i32 = arith.constant 0 : i32
    %c0_i32_0 = arith.constant 0 : i32
    %c0_i32_1 = arith.constant 0 : i32
    return %arg0, %c0_i32, %c0_i32_0 : i32, i32, i32
  }
}

</mosaic_0001>

<sc_bundles>
// kernel: kernel.4.cloned.1.call-start
scs
__scs_entry_jumppad:
0x0: {  	(pc) =	sbr.rel $0x88, $3  }
0x1: {  	(tag) =	ssettag $0x0;
	lr =	simm.s32 $0x1  }
0x2: {  	[smem:$0x3F9F] =	sst lr;
	_ =	strace $0xD0000000  }
0x3: {  	_ = 	snop  }
0x4: {  	_ = 	snop  }
0x5: {  	_ = 	snop  }
0x6: {  	_ = 	snop  }
0x7: {  	_ = 	snop  }
__scs_overlays_trampoline_lowered:
0x8: {  	[smem:$0x3FAE] =	sst s0  }
0x9: {  	[smem:$0x3FAF] =	sst s1  }
0xa: {  	[smem:$0x3FB0] =	sst s2  }
0xb: {  	[smem:$0x3FB1] =	sst s3  }
0xc: {  	[smem:$0x3FB2] =	sst s4  }
0xd: {  	[smem:$0x3FB3] =	sst s5  }
0xe: {  	[smem:$0x3FB4] =	sst s6  }
0xf: {  	[smem:$0x3FB5] =	sst s7  }
0x10: {  	[smem:$0x3FB6] =	sst s8  }
0x11: {  	[smem:$0x3FB7] =	sst s9;
	s0 =	simm.s32 @!p0 $0x0  }
0x12: {  	s1 =	sld [smem:$0x3F9D];
	s0 =	simm.s32 @p0 $0x1  }
0x13: {  	[smem:$0x3FB8] =	sst s0;
	s0 =	simm.s32 @!p1 $0x0  }
0x14: {  	s2 =	sld [smem:$0x3F9C];
	s0 =	simm.s32 @p1 $0x1  }
0x15: {  	[smem:$0x3FB9] =	sst s0;
	s0 =	simm.s32 @!p2 $0x0  }
0x16: {  	s3 =	sld [smem:$0x3FDB];
	s0 =	simm.s32 @p2 $0x1  }
0x17: {  	s4 =	simm.s32 $0x1BF5;
	[smem:$0x3FBB] =	sst s0  }
0x18: {  	s0 =	sld [smem:$0x3F9E];
	_ =	swait.ge [sflag:s4], $0x0  }
0x19: {  	s7 =	sld [smem:$0x3F9F]  }
0x1a: {  	s8 =	sadd.s32 $0xFFFFE003, lr  }
0x1b: {  	s9 =	sadd.s32 $0xFFFFFEF7, lr;
	s5 =	simm.s32 $0xFFFFFFFF;
	p2 =	slt.u32 s8, $0xFFFFF086  }
0x1c: {  	p1 =	slt.u32 s9, $0xF7A;
	s5 =	simm.s32 @!p2 $0x0  }
0x1d: {  	s5 =	simm.s32 @p1 $0x1;
	p0 =	seq.s32 s7, s2  }
0x1e: {  	s7 =	smul.u32 @!p0 $0xF7A, s2;
	p2 =	seq.s32 @!p0 s5, $0x0  }
0x1f: {  	s9 =	smul.u32 $0xF7A, s1;
	s8 =	simm.s32 @!p0 $0x1BF5;
	p2 =	por !p2, p0  }
0x20: {  	[sflag:s8] =	ssyncset.s32 @!p0 $0xFFFFF086;
	s6 =	sadd.s32 @!p0 s3, s7;
	s7 =	simm.s32 @!p0 $0x108  }
0x21: {  	s3 =	sadd.s32 s3, s9;
	s6 =	sadd.s32 @!p0 $0x88, s6;
	s7 =	simm.s32 @p2 $0x1082  }
0x22: {  	[simem:s7], [sflag:s8] =	dma.local @!p0 [hbm:s6], $0xF7A  }
0x23: {  	s9 =	sor.u32 $0xD0000000, s2;
	s6 =	simm.s32 $0x108;
	_ =	swait.ge @!p0 [sflag:s8], $0x0  }
0x24: {  	s3 =	sadd.s32 $0x88, s3;
	s6 =	simm.s32 @!p1 $0x1082;
	[sflag:s4] =	ssyncset.s32 $0xFFFFF086  }
0x25: {  	[simem:s6], [sflag:s4] =	dma.local [hbm:s3], $0xF7A  }
0x26: {  	[smem:$0x3F9F] =	sst s1;
	(tag) =	ssettag s2;
	_ =	strace s9  }
0x27: {  	s1 =	sld [smem:$0x3FAF]  }
0x28: {  	s2 =	sld [smem:$0x3FB0]  }
0x29: {  	s4 =	sld [smem:$0x3FB2]  }
0x2a: {  	p0 =	seq.s32 s5, $0x0;
	s5 =	sld [smem:$0x3FB3]  }
0x2b: {  	s6 =	sld [smem:$0x3FB4]  }
0x2c: {  	s7 =	sld [smem:$0x3FB5]  }
0x2d: {  	s3 =	simm.s32 $0x108;
	s8 =	sld [smem:$0x3FB6]  }
0x2e: {  	s3 =	simm.s32 @!p0 $0x1082;
	s9 =	sld [smem:$0x3FB7]  }
0x2f: {  	lr =	sadd.s32 s0, s3;
	s0 =	sld [smem:$0x3FAE]  }
0x30: {  	s3 =	sld [smem:$0x3FB1]  }
0x31: {  	[smem:$0x3FBA] =	sst s10  }
0x32: {  	s10 =	sld [smem:$0x3FB8];
	_ =	sdelay $0x3  }
0x33: {  	p0 =	seq.s32 s10, $0x1;
	s10 =	sld [smem:$0x3FBA];
	_ =	sdelay $0x3  }
0x34: {  	[smem:$0x3FBA] =	sst s10  }
0x35: {  	s10 =	sld [smem:$0x3FB9];
	_ =	sdelay $0x3  }
0x36: {  	p1 =	seq.s32 s10, $0x1;
	s10 =	sld [smem:$0x3FBA];
	_ =	sdelay $0x3  }
0x37: {  	[smem:$0x3FBA] =	sst s10  }
0x38: {  	s10 =	sld [smem:$0x3FBB]  }
0x39: {  	_ = 	snop;
	(pc) =	sbr.ind lr, $3  }
0x3a: {  	_ = 	snop  }
0x3b: {  	_ = 	snop  }
0x3c: {  	p2 =	seq.s32 s10, $0x1;
	s10 =	sld [smem:$0x3FBA]  }
0x3d: {  	_ =	shalt  }
0x3e: {  	_ =	shalt  }
0x3f: {  	_ =	shalt  }
0x40: {  	_ =	shalt  }
0x41: {  	_ =	shalt  }
0x42: {  	_ =	shalt  }
0x43: {  	_ =	shalt  }
0x44: {  	_ =	shalt  }
0x45: {  	_ =	shalt  }
0x46: {  	_ =	shalt  }
0x47: {  	_ =	shalt  }
0x48: {  	_ =	shalt  }
0x49: {  	_ =	shalt  }
0x4a: {  	_ =	shalt  }
0x4b: {  	_ =	shalt  }
0x4c: {  	_ =	shalt  }
0x4d: {  	_ =	shalt  }
0x4e: {  	_ =	shalt  }
0x4f: {  	_ =	shalt  }
0x50: {  	_ =	shalt  }
0x51: {  	_ =	shalt  }
0x52: {  	_ =	shalt  }
0x53: {  	_ =	shalt  }
0x54: {  	_ =	shalt  }
0x55: {  	_ =	shalt  }
0x56: {  	_ =	shalt  }
0x57: {  	_ =	shalt  }
0x58: {  	_ =	shalt  }
0x59: {  	_ =	shalt  }
0x5a: {  	_ =	shalt  }
0x5b: {  	_ =	shalt  }
0x5c: {  	_ =	shalt  }
0x5d: {  	_ =	shalt  }
0x5e: {  	_ =	shalt  }
0x5f: {  	_ =	shalt  }
0x60: {  	_ =	shalt  }
0x61: {  	_ =	shalt  }
0x62: {  	_ =	shalt  }
0x63: {  	_ =	shalt  }
0x64: {  	_ =	shalt  }
0x65: {  	_ =	shalt  }
0x66: {  	_ =	shalt  }
0x67: {  	_ =	shalt  }
0x68: {  	_ =	shalt  }
0x69: {  	_ =	shalt  }
0x6a: {  	_ =	shalt  }
0x6b: {  	_ =	shalt  }
0x6c: {  	_ =	shalt  }
0x6d: {  	_ =	shalt  }
0x6e: {  	_ =	shalt  }
0x6f: {  	_ =	shalt  }
0x70: {  	_ =	shalt  }
0x71: {  	_ =	shalt  }
0x72: {  	_ =	shalt  }
0x73: {  	_ =	shalt  }
0x74: {  	_ =	shalt  }
0x75: {  	_ =	shalt  }
0x76: {  	_ =	shalt  }
0x77: {  	_ =	shalt  }
0x78: {  	_ =	shalt  }
0x79: {  	_ =	shalt  }
0x7a: {  	_ =	shalt  }
0x7b: {  	_ =	shalt  }
0x7c: {  	_ =	shalt  }
0x7d: {  	_ =	shalt  }
0x7e: {  	_ =	shalt  }
0x7f: {  	_ =	shalt  }
0x80: {  	_ =	shalt  }
0x81: {  	_ =	shalt  }
0x82: {  	_ =	shalt  }
0x83: {  	_ =	shalt  }
0x84: {  	_ =	shalt  }
0x85: {  	_ =	shalt  }
0x86: {  	_ =	shalt  }
0x87: {  	_ =	shalt  }
.Lfunc_end0:
.L_simem_size_0:
called_computation_lowered:
.L_overlay_start_0:
0x88: {  	s2 =	sld [smem:$0x3FD9]  }
0x89: {  	s3 =	sld [smem:$0x3FFE];
	_ =	sdelay $0x1  }
0x8a: {  	s1 =	srdreg.scid  }
0x8b: {  	s0 =	sand.u32 $0x1, s1  }
0x8c: {  	s17 =	sshll.u32 s0, $0xA;
	s2 =	sadd.s32 s3, s2  }
0x8d: {  	s2 =	sadd.s32 s2, s17  }
0x8e: {  	[smem:$0x3FC6] =	sst s2  }
0x8f: {  	_ = 	snop  }
0x90: {  	s2 =	sld [smem:$0x3FC8];
	(tm) =	ssettm $0x1  }
0x91: {  	s18 =	sld [smem:$0x3FFB];
	_ =	sdelay $0x3  }
0x92: {  	_ =	strace s18  }
0x93: {  	s3 =	sld [smem:$0x3FFC];
	_ =	sdelay $0x3  }
0x94: {  	_ =	strace s3  }
0x95: {  	s3 =	sld [smem:$0x3FFD];
	_ =	sdelay $0x3  }
0x96: {  	_ =	strace s3  }
0x97: {  	_ =	strace $0x8FFFFFFF  }
0x98: {  	s19 =	sld [smem:$0x3FDB];
	_ =	sdelay $0x1  }
0x99: {  	s4 =	simm.s32 $_scs_section_size  }
0x9a: {  	s5 =	simm.s32 $_size__tile_overlayer_lowered;
	s6 =	simm.s32 $_tile_overlayer_lowered  }
0x9b: {  	s22 =	simm.s32 $0x1BFF;
	s21 =	sshll.u32 s6, $0x1;
	s3 =	sadd.s32 s4, s19  }
0x9c: {  	s7 =	simm.s32 $0x0;
	s20 =	sshll.u32 s5, $0x1;
	s5 =	sadd.s32 s21, s3  }
0x9d: {  	[timem:s7], [sflag:s22] =	dma.local [hbm:s5], s20  }
0x9e: {  	_ =	swait.ge [sflag:s22], s20  }
0x9f: {  	s4 =	ssub.s32 $0x0, s20;
	[sflag:s22] =	ssyncset.done $0x0  }
0xa0: {  	[sflag:s22] =	ssyncadd.s32 s4;
	_ =	sdelay $0x1  }
0xa1: {  	s23 =	simm.s32 $0x1B8B  }
0xa2: {  	_ =	swait.ge [sflag:s23], $0x1  }
0xa3: {  	[sflag:s23] =	ssyncset.done $0x0  }
0xa4: {  	s25 =	simm.s32 $0x1B8E;
	s24 =	sld [smem:$0x3FFE];
	[sflag:s23] =	ssyncadd.s32 $0xFFFFFFFF  }
0xa5: {  	s26 =	simm.s32 $execute0_lowered;
	[smem:$0x3FD2] =	sst s25  }
0xa6: {  	s5 =	sshll.u32 s26, $0x1;
	_ =	strace $0x80000046;
	[dreg:$0x1] =	wrdreg $0xFFFFFFFF  }
0xa7: {  	s28 =	simm.s32 $_size_execute0_lowered;
	s3 =	sadd.s32 s3, s5;
	[dreg:$0x0] =	wrdreg $0x0  }
0xa8: {  	s5 =	sshll.u32 s28, $0x1;
	[dreg:$0x2] =	wrdreg s3  }
0xa9: {  	[dreg:$0x3] =	wrdreg s5  }
0xaa: {  	[dreg:$0x4] =	wrdreg $0xC0  }
0xab: {  	_ =	task [dreg:s7], $0x5FFFF  }
0xac: {  	[dreg:$0x1] =	wrdreg $0xFFFFFFFF  }
0xad: {  	[dreg:$0x0] =	wrdreg $0x60  }
0xae: {  	[dreg:$0x2] =	wrdreg s24  }
0xaf: {  	[dreg:$0x3] =	wrdreg s2  }
0xb0: {  	[dreg:$0x4] =	wrdreg $0x9  }
0xb1: {  	_ =	task.clear_ibuf [dreg:s7], $0x5FFFF;
	_ =	strace $0x90000046  }
0xb2: {  	s29 =	simm.s32 $0x9;
	_ =	strace $0x80000048  }
0xb3: {  	_ =	swait.ge [sflag:s29], $0x1  }
0xb4: {  	[sflag:s29] =	ssyncadd.s32 $0xFFFFFFFF  }
0xb5: {  	_ =	strace $0x90000048  }
0xb6: {  	_ =	sfence  }
0xb7: {  	s30 =	sld [smem:$0x0];
	_ =	sdelay $0x2  }
0xb8: {  	s31 =	sshll.u32 s1, $0xD;
	s1 =	sshrl.u32 s1, $0x2  }
0xb9: {  	s3 =	sand.u32 $0x4000, s31;
	s1 =	sadd.s32 s1, s30  }
0xba: {  	s0 =	sor.u32 s3, s0;
	s1 =	sshll.u32 s1, $0x11  }
0xbb: {  	s0 =	sor.u32 s1, s0  }
0xbc: {  	s0 =	sadd.s32 $0x8F2B, s0  }
0xbd: {  	[sflag:s0] =	ssyncadd.remote.s32 $0x1  }
0xbe: {  	_ =	sfence.sel $0xFFFF  }
0xbf: {  	[dreg:$0x0] =	wrdreg $0xFFFFFFFF;
	(pc) =	sbr.abs _section_cstart, $3  }
0xc0: {  	[dreg:$0x1] =	wrdreg $0xFFFFFFFF  }
0xc1: {  	_ =	task.clear_ibuf [dreg:s7], $0x2FFFF;
	_ =	strace $0x9FFFFFFF  }
0xc2: {  	(tm) =	ssettm $0x7FFFFFFF  }
0xc3: {  	_ =	shalt  }
tec
execute0_lowered:
.L_overlay_start_1:
0x0: {  	(tag) =	ssettag $0x1  }
0x1: {  	s1 =	srdreg.scid;
	s0 =	stileid.u32  }
0x2: {  	s10 =	sand.u32 $0x1, s1;
	s23 =	sshll.u32 s0, $0x1  }
0x3: {  	s9 =	sor.u32 s10, s23  }
0x4: {  	v1 =	vlaneseq.u32;
	s5 =	sshll.u32 s9, $0x9  }
0x5: {  	v31 =	vmul.u32 $0x3E8, v1;
	v0 =	vmov s5;
	s24 =	sor.u32 $0x20, s5;
	s2 =	sor.u32 $0x30, s5;
	s3 =	sor.u32 $0x10, s5  }
0x6: {  	s25 =	sor.u32 $0x40, s5;
	s30 =	sor.u32 $0x70, s5;
	v2 =	vmov s24;
	v3 =	vmov s2;
	v4 =	vmov s3  }
0x7: {  	s12 =	sor.u32 $0x90, s5;
	s7 =	sor.u32 $0xE0, s5;
	s17 =	sor.u32 $0x110, s5;
	v29 =	vmul.u32 $0x3E8, v0;
	v1 =	vmov s25;
	v20 =	vmov s30  }
0x8: {  	s21 =	sor.u32 $0x160, s5;
	s23 =	sor.u32 $0x190, s5;
	v18 =	vmov s12;
	v14 =	vmov s7;
	v12 =	vmov s17  }
0x9: {  	v8 =	vmov s21;
	v6 =	vmov s23;
	v2 =	vmul.u32 $0x3E8, v2  }
0xa: {  	s29 =	sor.u32 $0xB0, s5;
	s30 =	sor.u32 $0x1C0, s5;
	v3 =	vmul.u32 $0x3E8, v3;
	v27 =	vmul.u32 $0x3E8, v4;
	v1 =	vmul.u32 $0x3E8, v1  }
0xb: {  	v4 =	vmov s29;
	s29 =	sor.u32 $0x1D0, s5;
	v33 =	vmov s30;
	v38 =	vmul.u32 $0x3E8, v6  }
0xc: {  	v62 =	vmul.u32 $0x3E8, v14;
	v45 =	vmul.u32 $0x3E8, v18;
	v30 =	vmov s29  }
0xd: {  	s11 =	rddreg [dreg:$0x0];
	s26 =	sor.u32 $0x50, s5;
	s28 =	sor.u32 $0x60, s5;
	v33 =	vmul.u32 $0x3E8, v33;
	v28 =	vbroadcast v2, $0x0;
	v0 =	vbroadcast v3, $0x0  }
0xe: {  	s31 =	rddreg [dreg:$0x1];
	s19 =	sor.u32 $0x140, s5;
	v2 =	vmov s26;
	v3 =	vmov s28;
	v26 =	vbroadcast v1, $0x0  }
0xf: {  	s1 =	rddreg [dreg:$0x2];
	s16 =	sshll.u32 s9, $0x6;
	v1 =	vmul.u32 $0x3E8, v4;
	v4 =	vmov s19;
	v30 =	vmul.u32 $0x3E8, v30  }
0x10: {  	s2 =	simm.s32 $0x0;
	s25 =	sor.u32 $0x1A0, s5;
	s26 =	sor.u32 $0x1B0, s5;
	v50 =	vbroadcast v38, $0x0;
	v2 =	vmul.u32 $0x3E8, v2;
	v3 =	vmul.u32 $0x3E8, v3  }
0x11: {  	s4 =	sor.u32 $0x80, s5;
	s3 =	simm.s32 $0x2;
	[smem:$0x7FF] =	sst s2;
	v11 =	vmul.u32 $0x3E8, v4;
	v4 =	vmov s25;
	v5 =	vmov s26  }
0x12: {  	_ =	strace $0x80000047;
	s28 =	sor.u32 $0x1E0, s5;
	v33 =	vbroadcast v33, $0x0;
	v24 =	vbroadcast v2, $0x0;
	v2 =	vmov s4;
	s4 =	sadd.s32 s31, s16  }
0x13: {  	v0 =	vadd.s32 v31, v0;
	v1 =	vbroadcast v1, $0x0;
	v22 =	vmul.u32 $0x3E8, v4;
	[tilespmem:s2], [sflag:$0x2] =	stream.linear.gather [hbm4b:s4+s2], $0x200, $0x38;
	[tilespmem:$0x680] =	vst v63  }
0x14: {  	s6 =	sor.u32 $0xA0, s5;
	v4 =	vmul.u32 $0x3E8, v5;
	v5 =	vmov s28;
	v30 =	vbroadcast v30, $0x0;
	_ =	swait.ge [sflag:s3], $0x200  }
0x15: {  	v28 =	vadd.s32 v31, v28;
	v25 =	vbroadcast v3, $0x0;
	v3 =	vmov s6;
	[sflag:s3] =	ssyncset.done $0x0  }
0x16: {  	s13 =	sor.u32 $0xC0, s5;
	v5 =	vmul.u32 $0x3E8, v5;
	v57 =	vbroadcast v11, $0x0;
	v21 =	vmul.u32 $0x3E8, v2;
	[sflag:s3] =	ssyncadd.s32 $0xFFFFFE00  }
0x17: {  	s14 =	sor.u32 $0x130, s5;
	v19 =	vmul.u32 $0x3E8, v3;
	v1 =	vadd.s32 v31, v1;
	v2 =	vmov s13;
	v7 =	vld [tilespmem:$0x1F0]  }
0x18: {  	v3 =	vmov s14;
	v4 =	vbroadcast v4, $0x0;
	v6 =	vadd.s32 v31, v30;
	v23 =	vld [tilespmem:$0x1B0]  }
0x19: {  	s15 =	sor.u32 $0xD0, s5;
	v22 =	vbroadcast v22, $0x0;
	v17 =	vmul.u32 $0x3E8, v2;
	v3 =	vmul.u32 $0x3E8, v3;
	v32 =	vld [tilespmem:$0x1E0]  }
0x1a: {  	s8 =	sor.u32 $0x100, s5;
	v2 =	vmov s15;
	v5 =	vbroadcast v5, $0x0;
	v24 =	vadd.s32 v31, v24;
	v34 =	vld [tilespmem:$0x1D0]  }
0x1b: {  	s18 =	sor.u32 $0x120, s5;
	v16 =	vmul.u32 $0x3E8, v2;
	v2 =	vmov s8;
	v3 =	vbroadcast v3, $0x0;
	v56 =	vld [tilespmem:$0xB0]  }
0x1c: {  	v4 =	vadd.s32 v31, v4;
	v15 =	vmul.u32 $0x3E8, v2;
	v2 =	vmov s18;
	v61 =	vld [tilespmem:$0x100]  }
0x1d: {  	s20 =	sor.u32 $0x150, s5;
	v13 =	vmul.u32 $0x3E8, v2;
	v35 =	vld [tilespmem:$0x1C0];
	v43 =	vbroadcast v16, $0x0;
	v2 =	vadd.s32 v31, v3  }
0x1e: {  	s22 =	sor.u32 $0x180, s5;
	v30 =	vld [tilespmem:$0x190];
	v3 =	vmov s20;
	v40 =	vbroadcast v15, $0x0;
	v23 =	vadd.s32 v23, v4  }
0x1f: {  	v36 =	vld [tilespmem:$0x130];
	v10 =	vmul.u32 $0x3E8, v3;
	v3 =	vmov s22;
	v49 =	vadd.s32 v34, v6;
	[tilespmem:$0x3B0] =	vst v23  }
0x20: {  	s24 =	sor.u32 $0x1F0, s5;
	v44 =	vld [tilespmem:$0x30];
	v9 =	vmul.u32 $0x3E8, v3;
	v16 =	vadd.s32 v31, v40;
	v41 =	vadd.s32 v56, v1;
	[tilespmem:$0x3D0] =	vst v49  }
0x21: {  	v5 =	vadd.s32 v31, v5;
	v37 =	vld [tilespmem:$0x1A0];
	v3 =	vmov s24;
	v34 =	vadd.s32 v61, v16;
	[tilespmem:$0x2B0] =	vst v41  }
0x22: {  	v48 =	vld [tilespmem:$0x180];
	v52 =	vbroadcast v9, $0x0;
	v9 =	vadd.s32 v31, v50;
	v23 =	vadd.s32 v32, v5;
	[tilespmem:$0x300] =	vst v34  }
0x23: {  	v51 =	vld [tilespmem:$0x160];
	v3 =	vmul.u32 $0x3E8, v3;
	v55 =	vbroadcast v10, $0x0;
	v30 =	vadd.s32 v30, v9;
	[tilespmem:$0x3E0] =	vst v23  }
0x24: {  	v53 =	vld [tilespmem:$0x150];
	v23 =	vmul.u32 $0x3E8, v8;
	v8 =	vadd.s32 v31, v22;
	v22 =	vadd.s32 v36, v2;
	[tilespmem:$0x390] =	vst v30  }
0x25: {  	v58 =	vld [tilespmem:$0x110];
	v3 =	vbroadcast v3, $0x0;
	v10 =	vadd.s32 v31, v52;
	v52 =	vadd.s32 v44, v0;
	[tilespmem:$0x330] =	vst v22  }
0x26: {  	v25 =	vadd.s32 v31, v25;
	v63 =	vld [tilespmem:$0xE0];
	v60 =	vbroadcast v13, $0x0;
	v54 =	vadd.s32 v37, v8;
	[tilespmem:$0x230] =	vst v52  }
0x27: {  	v3 =	vadd.s32 v31, v3;
	v22 =	vld [tilespmem:$0x140];
	v32 =	vadd.s32 v48, v10;
	v23 =	vbroadcast v23, $0x0;
	[tilespmem:$0x3A0] =	vst v54  }
0x28: {  	v42 =	vld [tilespmem:$0xD0];
	v30 =	vmul.u32 $0x3E8, v12;
	v12 =	vadd.s32 v31, v55;
	v7 =	vadd.s32 v7, v3;
	[tilespmem:$0x380] =	vst v32  }
0x29: {  	v36 =	vadd.s32 v53, v12;
	[tilespmem:$0x3F0] =	vst v7;
	v7 =	vadd.s32 v31, v33;
	v11 =	vadd.s32 v31, v23;
	v23 =	vld [tilespmem:$0x120]  }
0x2a: {  	v13 =	vadd.s32 v31, v57;
	v53 =	vld [tilespmem:$0x60];
	v30 =	vbroadcast v30, $0x0;
	[tilespmem:$0x350] =	vst v36;
	v35 =	vadd.s32 v35, v7  }
0x2b: {  	v18 =	vadd.s32 v31, v43;
	v14 =	vadd.s32 v31, v60;
	v54 =	vld [tilespmem:$0x50];
	[tilespmem:$0x3C0] =	vst v35;
	v59 =	vadd.s32 v51, v11  }
0x2c: {  	s31 =	sor.u32 $0x170, s5;
	v46 =	vld [tilespmem:$0x90];
	v50 =	vmul.u32 $0x3E8, v20;
	v15 =	vadd.s32 v31, v30;
	[tilespmem:$0x360] =	vst v59;
	v22 =	vadd.s32 v22, v13  }
0x2d: {  	v56 =	vmov s31;
	v30 =	vld [tilespmem:$0xC0];
	v35 =	vadd.s32 v58, v15;
	[tilespmem:$0x340] =	vst v22;
	v22 =	vbroadcast v62, $0x0  }
0x2e: {  	v41 =	vbroadcast v29, $0x0;
	v48 =	vbroadcast v19, $0x0;
	[tilespmem:$0x310] =	vst v35;
	v59 =	vld [tilespmem:$0x20];
	v23 =	vadd.s32 v23, v14  }
0x2f: {  	v36 =	vadd.s32 v53, v25;
	[tilespmem:$0x320] =	vst v23;
	v23 =	vbroadcast v17, $0x0;
	v17 =	vadd.s32 v31, v22;
	v22 =	vld [tilespmem:$0xA0]  }
0x30: {  	v35 =	vbroadcast v45, $0x0;
	v33 =	vadd.s32 v54, v24;
	[tilespmem:$0x260] =	vst v36;
	v47 =	vadd.s32 v63, v17  }
0x31: {  	v61 =	vld [tilespmem:$0x10];
	[tilespmem:$0x250] =	vst v33;
	v63 =	vbroadcast v27, $0x0;
	v19 =	vadd.s32 v31, v23;
	v23 =	vadd.s32 v42, v18  }
0x32: {  	v20 =	vadd.s32 v31, v48;
	v30 =	vadd.s32 v30, v19;
	[tilespmem:$0x2D0] =	vst v23;
	v23 =	vbroadcast v21, $0x0  }
0x33: {  	v49 =	vld [tilespmem:$0x80];
	v21 =	vadd.s32 v31, v35;
	v29 =	vadd.s32 v31, v63;
	[tilespmem:$0x2C0] =	vst v30;
	v30 =	vbroadcast v50, $0x0  }
0x34: {  	v39 =	vld [tilespmem:$0x40];
	[tilespmem:$0x2E0] =	vst v47;
	v35 =	vadd.s32 v59, v28;
	v32 =	vadd.s32 v46, v21;
	v55 =	vadd.s32 v22, v20  }
0x35: {  	s5 =	sor.u32 $0xF0, s5;
	v58 =	vld [tilespmem:$0x170];
	[tilespmem:$0x220] =	vst v35;
	v22 =	vadd.s32 v31, v23;
	v23 =	vadd.s32 v31, v30;
	v30 =	vmul.u32 $0x3E8, v56  }
0x36: {  	v60 =	vmov s5;
	v51 =	vld [tilespmem:$0x70];
	v42 =	vadd.s32 v61, v29;
	[tilespmem:$0x290] =	vst v32  }
0x37: {  	v34 =	vmul.u32 $0x3E8, v60;
	v62 =	vld [tilespmem:$0xF0];
	[tilespmem:$0x210] =	vst v42;
	v30 =	vbroadcast v30, $0x0  }
0x38: {  	v26 =	vadd.s32 v31, v26;
	v40 =	vld [tilespmem:$0x0];
	[tilespmem:$0x2A0] =	vst v55;
	v57 =	vadd.s32 v49, v22  }
0x39: {  	v34 =	vbroadcast v34, $0x0;
	[tilespmem:$0x280] =	vst v57;
	v27 =	vadd.s32 v31, v30;
	v30 =	vadd.s32 v39, v26  }
0x3a: {  	[tilespmem:$0x240] =	vst v30;
	v30 =	vadd.s32 v58, v27  }
0x3b: {  	v37 =	vadd.s32 v51, v23;
	[tilespmem:$0x370] =	vst v30;
	v30 =	vadd.s32 v31, v34  }
0x3c: {  	[tilespmem:$0x270] =	vst v37;
	v31 =	vadd.s32 v31, v41;
	v43 =	vadd.s32 v62, v30  }
0x3d: {  	s7 =	simm.s32 $0x400;
	v33 =	vadd.s32 v40, v31;
	[tilespmem:$0x2F0] =	vst v43  }
0x3e: {  	s6 =	simm.s32 $0x200;
	s8 =	simm.s32 $0x1;
	s5 =	sadd.s32 $0x200000, s11;
	[tilespmem:$0x200] =	vst v33  }
0x3f: {  	[tilespmem:s7], [sflag:$0x1] =	stream.indirect.gather [hbm4b:s5+s6], $0x1, s6, s6, $0xb8;
	[tilespmem:$0x680] =	vst v63  }
0x40: {  	_ =	swait.ge [sflag:s8], $0x200  }
0x41: {  	[sflag:s8] =	ssyncset.done $0x0  }
0x42: {  	[sflag:s8] =	ssyncadd.s32 $0xFFFFFE00  }
0x43: {  	v44 =	vld [tilespmem:$0x400];
	_ =	sdelay $0x1  }
0x44: {  	v45 =	vld [tilespmem:$0x410];
	_ =	sdelay $0x1  }
0x45: {  	v46 =	vld [tilespmem:$0x420]  }
0x46: {  	v32 =	vadd.f32 $0.0e+00, v44  }
0x47: {  	v47 =	vld [tilespmem:$0x430]  }
0x48: {  	v32 =	vadd.f32 v45, v32  }
0x49: {  	v48 =	vld [tilespmem:$0x440]  }
0x4a: {  	v32 =	vadd.f32 v46, v32  }
0x4b: {  	v49 =	vld [tilespmem:$0x450]  }
0x4c: {  	v32 =	vadd.f32 v47, v32  }
0x4d: {  	v50 =	vld [tilespmem:$0x460]  }
0x4e: {  	v32 =	vadd.f32 v48, v32  }
0x4f: {  	v51 =	vld [tilespmem:$0x470]  }
0x50: {  	v32 =	vadd.f32 v49, v32  }
0x51: {  	v52 =	vld [tilespmem:$0x480]  }
0x52: {  	v32 =	vadd.f32 v50, v32  }
0x53: {  	v53 =	vld [tilespmem:$0x490]  }
0x54: {  	v32 =	vadd.f32 v51, v32  }
0x55: {  	v54 =	vld [tilespmem:$0x4A0]  }
0x56: {  	v32 =	vadd.f32 v52, v32  }
0x57: {  	v55 =	vld [tilespmem:$0x4B0]  }
0x58: {  	v32 =	vadd.f32 v53, v32  }
0x59: {  	v56 =	vld [tilespmem:$0x4C0]  }
0x5a: {  	v32 =	vadd.f32 v54, v32  }
0x5b: {  	v57 =	vld [tilespmem:$0x4D0]  }
0x5c: {  	v32 =	vadd.f32 v55, v32  }
0x5d: {  	v58 =	vld [tilespmem:$0x4E0]  }
0x5e: {  	v32 =	vadd.f32 v56, v32  }
0x5f: {  	v59 =	vld [tilespmem:$0x4F0]  }
0x60: {  	v32 =	vadd.f32 v57, v32  }
0x61: {  	v60 =	vld [tilespmem:$0x500]  }
0x62: {  	s10 =	ssub.s32 $0x2, s10;
	v32 =	vadd.f32 v58, v32  }
0x63: {  	s12 =	sshrl.u32 s10, $0x1;
	v61 =	vld [tilespmem:$0x510]  }
0x64: {  	s10 =	ssub.s32 s10, s12;
	v32 =	vadd.f32 v59, v32  }
0x65: {  	s12 =	smax.u32 s10, $0x1  }
0x66: {  	p0 =	sne.s32 s12, $0x1;
	v62 =	vld [tilespmem:$0x520];
	v33 =	vadd.f32 v60, v32  }
.Ltmp0:
0x67: {  	_ = 	snop;
	(pc) =	sbr.rel @!p0 .LBB2_2-.Ltmp0, $4  }
0x68: {  	v63 =	vadd.f32 v61, v33;
	v33 =	vld [tilespmem:$0x530]  }
0x69: {  	s9 =	sshll.u32 s9, $0x4  }
0x6a: {  	s9 =	sadd.s32 s9, s11;
	v34 =	vld [tilespmem:$0x540]  }
0x6b: {  	s9 =	sadd.s32 $0x3F4000, s9;
	s10 =	simm.s32 $0x600;
	s11 =	sadd.s32 $0xFFFFFFFF, s12;
	v32 =	vld [tilespmem:$0x550];
	v35 =	vadd.f32 v62, v63  }
.LBB2_1:
0x6c: {  	p0 =	sne.s32 s11, $0x1;
	s11 =	sadd.s32 $0xFFFFFFFF, s11  }
0x6d: {  	v33 =	vadd.f32 v33, v35  }
0x6e: {  	v35 =	vld [tilespmem:$0x560]  }
0x6f: {  	v33 =	vadd.f32 v34, v33  }
0x70: {  	v34 =	vld [tilespmem:$0x570]  }
0x71: {  	v32 =	vadd.f32 v32, v33  }
0x72: {  	v33 =	vld [tilespmem:$0x580]  }
0x73: {  	v32 =	vadd.f32 v35, v32  }
0x74: {  	v35 =	vld [tilespmem:$0x590]  }
0x75: {  	v32 =	vadd.f32 v34, v32  }
0x76: {  	v34 =	vld [tilespmem:$0x5A0]  }
0x77: {  	v32 =	vadd.f32 v33, v32  }
0x78: {  	v33 =	vld [tilespmem:$0x5B0]  }
0x79: {  	v32 =	vadd.f32 v35, v32  }
0x7a: {  	v35 =	vld [tilespmem:$0x5C0]  }
0x7b: {  	v32 =	vadd.f32 v34, v32  }
0x7c: {  	v34 =	vld [tilespmem:$0x5D0]  }
0x7d: {  	v32 =	vadd.f32 v33, v32  }
0x7e: {  	v33 =	vld [tilespmem:$0x5E0]  }
0x7f: {  	v32 =	vadd.f32 v35, v32  }
0x80: {  	v35 =	vld [tilespmem:$0x5F0]  }
0x81: {  	v32 =	vadd.f32 v34, v32;
	_ =	sdelay $0x1  }
0x82: {  	v32 =	vadd.f32 v33, v32;
	_ =	sdelay $0x1  }
0x83: {  	v32 =	vadd.f32 v35, v32;
	_ =	sdelay $0x1  }
0x84: {  	[tilespmem:$0x600] =	vst v32  }
0x85: {  	[hbm4b:s9+s2] =	stream.linear.scatter [tilespmem:s10], [sflag:$0x2], $0x80, $0x38;
	[tilespmem:$0x680] =	vst v63  }
0x86: {  	_ =	swait.ge [sflag:s3], $0x80  }
0x87: {  	[sflag:s3] =	ssyncset.done $0x0  }
0x88: {  	[sflag:s3] =	ssyncadd.s32 $0xFFFFFF80  }
0x89: {  	[tilespmem:s2], [sflag:$0x2] =	stream.linear.gather [hbm4b:s4+s2], $0x200, $0x38;
	[tilespmem:$0x680] =	vst v63  }
0x8a: {  	_ =	swait.ge [sflag:s3], $0x200  }
0x8b: {  	[sflag:s3] =	ssyncset.done $0x0  }
0x8c: {  	[sflag:s3] =	ssyncadd.s32 $0xFFFFFE00  }
0x8d: {  	v32 =	vld [tilespmem:$0x1F0]  }
0x8e: {  	v33 =	vld [tilespmem:$0x1B0]  }
0x8f: {  	v34 =	vld [tilespmem:$0x1E0]  }
0x90: {  	v35 =	vld [tilespmem:$0x1D0]  }
0x91: {  	v36 =	vld [tilespmem:$0x1C0]  }
0x92: {  	v37 =	vld [tilespmem:$0x130];
	v32 =	vadd.s32 v32, v3  }
0x93: {  	v38 =	vld [tilespmem:$0x1A0];
	v33 =	vadd.s32 v33, v4;
	[tilespmem:$0x3F0] =	vst v32  }
0x94: {  	v32 =	vld [tilespmem:$0x190];
	[tilespmem:$0x3B0] =	vst v33;
	v33 =	vadd.s32 v34, v5  }
0x95: {  	v34 =	vld [tilespmem:$0x180];
	v35 =	vadd.s32 v35, v6;
	[tilespmem:$0x3E0] =	vst v33  }
0x96: {  	v33 =	vld [tilespmem:$0x160];
	v36 =	vadd.s32 v36, v7;
	[tilespmem:$0x3D0] =	vst v35  }
0x97: {  	v35 =	vadd.s32 v37, v2;
	v37 =	vld [tilespmem:$0x150];
	[tilespmem:$0x3C0] =	vst v36  }
0x98: {  	[tilespmem:$0x330] =	vst v35;
	v35 =	vld [tilespmem:$0x140];
	v36 =	vadd.s32 v38, v8  }
0x99: {  	v38 =	vld [tilespmem:$0xB0];
	v32 =	vadd.s32 v32, v9;
	[tilespmem:$0x3A0] =	vst v36  }
0x9a: {  	v36 =	vld [tilespmem:$0x120];
	v34 =	vadd.s32 v34, v10;
	[tilespmem:$0x390] =	vst v32  }
0x9b: {  	v32 =	vld [tilespmem:$0x110];
	v33 =	vadd.s32 v33, v11;
	[tilespmem:$0x380] =	vst v34  }
0x9c: {  	v34 =	vld [tilespmem:$0x100];
	v37 =	vadd.s32 v37, v12;
	[tilespmem:$0x360] =	vst v33  }
0x9d: {  	v33 =	vld [tilespmem:$0xE0];
	v35 =	vadd.s32 v35, v13;
	[tilespmem:$0x350] =	vst v37  }
0x9e: {  	v37 =	vadd.s32 v38, v1;
	v38 =	vld [tilespmem:$0xD0];
	[tilespmem:$0x340] =	vst v35  }
0x9f: {  	[tilespmem:$0x2B0] =	vst v37;
	v35 =	vld [tilespmem:$0xC0];
	v36 =	vadd.s32 v36, v14  }
0xa0: {  	v37 =	vld [tilespmem:$0x30];
	v32 =	vadd.s32 v32, v15;
	[tilespmem:$0x320] =	vst v36  }
0xa1: {  	v36 =	vld [tilespmem:$0xA0];
	v34 =	vadd.s32 v34, v16;
	[tilespmem:$0x310] =	vst v32  }
0xa2: {  	v32 =	vld [tilespmem:$0x90];
	v33 =	vadd.s32 v33, v17;
	[tilespmem:$0x300] =	vst v34  }
0xa3: {  	v34 =	vld [tilespmem:$0x80];
	v38 =	vadd.s32 v38, v18;
	[tilespmem:$0x2E0] =	vst v33  }
0xa4: {  	v33 =	vld [tilespmem:$0x70];
	v35 =	vadd.s32 v35, v19;
	[tilespmem:$0x2D0] =	vst v38  }
0xa5: {  	v37 =	vadd.s32 v37, v0;
	v38 =	vld [tilespmem:$0x60];
	[tilespmem:$0x2C0] =	vst v35  }
0xa6: {  	[tilespmem:$0x230] =	vst v37;
	v35 =	vld [tilespmem:$0x50];
	v36 =	vadd.s32 v36, v20  }
0xa7: {  	v37 =	vld [tilespmem:$0x40];
	v32 =	vadd.s32 v32, v21;
	[tilespmem:$0x2A0] =	vst v36  }
0xa8: {  	v34 =	vadd.s32 v34, v22;
	[tilespmem:$0x290] =	vst v32;
	v32 =	vld [tilespmem:$0x170]  }
0xa9: {  	v36 =	vld [tilespmem:$0x20];
	v33 =	vadd.s32 v33, v23;
	[tilespmem:$0x280] =	vst v34  }
0xaa: {  	v34 =	vld [tilespmem:$0x10];
	v38 =	vadd.s32 v38, v25;
	[tilespmem:$0x270] =	vst v33  }
0xab: {  	v33 =	vadd.s32 v35, v24;
	[tilespmem:$0x260] =	vst v38;
	v35 =	vld [tilespmem:$0xF0]  }
0xac: {  	v38 =	vld [tilespmem:$0x0];
	v37 =	vadd.s32 v37, v26;
	[tilespmem:$0x250] =	vst v33  }
0xad: {  	[tilespmem:$0x240] =	vst v37;
	v32 =	vadd.s32 v32, v27  }
0xae: {  	v33 =	vadd.s32 v36, v28;
	[tilespmem:$0x370] =	vst v32  }
0xaf: {  	v32 =	vadd.s32 v34, v29;
	[tilespmem:$0x220] =	vst v33  }
0xb0: {  	[tilespmem:$0x210] =	vst v32;
	v32 =	vadd.s32 v35, v30  }
0xb1: {  	v33 =	vadd.s32 v38, v31;
	[tilespmem:$0x2F0] =	vst v32  }
0xb2: {  	[tilespmem:$0x200] =	vst v33  }
0xb3: {  	[tilespmem:s7], [sflag:$0x1] =	stream.indirect.gather [hbm4b:s5+s6], $0x1, s6, s6, $0xb8;
	[tilespmem:$0x680] =	vst v63  }
0xb4: {  	_ =	swait.ge [sflag:s8], $0x200  }
0xb5: {  	[sflag:s8] =	ssyncset.done $0x0  }
0xb6: {  	[sflag:s8] =	ssyncadd.s32 $0xFFFFFE00  }
0xb7: {  	v33 =	vld [tilespmem:$0x400]  }
0xb8: {  	v32 =	vld [tilespmem:$0x550]  }
0xb9: {  	v34 =	vld [tilespmem:$0x410];
	_ =	sdelay $0x1  }
0xba: {  	v35 =	vld [tilespmem:$0x420]  }
0xbb: {  	v33 =	vadd.f32 $0.0e+00, v33  }
0xbc: {  	v36 =	vld [tilespmem:$0x430]  }
0xbd: {  	v33 =	vadd.f32 v34, v33  }
0xbe: {  	v34 =	vld [tilespmem:$0x440]  }
0xbf: {  	v33 =	vadd.f32 v35, v33  }
0xc0: {  	v35 =	vld [tilespmem:$0x450]  }
0xc1: {  	v33 =	vadd.f32 v36, v33  }
0xc2: {  	v36 =	vld [tilespmem:$0x460]  }
0xc3: {  	v33 =	vadd.f32 v34, v33  }
0xc4: {  	v34 =	vld [tilespmem:$0x470]  }
0xc5: {  	v33 =	vadd.f32 v35, v33  }
0xc6: {  	v35 =	vld [tilespmem:$0x480]  }
0xc7: {  	v33 =	vadd.f32 v36, v33  }
0xc8: {  	v36 =	vld [tilespmem:$0x490]  }
0xc9: {  	v33 =	vadd.f32 v34, v33  }
0xca: {  	v34 =	vld [tilespmem:$0x4A0]  }
0xcb: {  	v33 =	vadd.f32 v35, v33  }
0xcc: {  	v35 =	vld [tilespmem:$0x4B0]  }
0xcd: {  	v33 =	vadd.f32 v36, v33  }
0xce: {  	v36 =	vld [tilespmem:$0x4C0]  }
0xcf: {  	v33 =	vadd.f32 v34, v33  }
0xd0: {  	v34 =	vld [tilespmem:$0x4D0]  }
0xd1: {  	v33 =	vadd.f32 v35, v33  }
0xd2: {  	v35 =	vld [tilespmem:$0x4E0]  }
0xd3: {  	v33 =	vadd.f32 v36, v33  }
0xd4: {  	v36 =	vld [tilespmem:$0x4F0]  }
0xd5: {  	v33 =	vadd.f32 v34, v33  }
0xd6: {  	v34 =	vld [tilespmem:$0x500]  }
0xd7: {  	v33 =	vadd.f32 v35, v33  }
0xd8: {  	v35 =	vld [tilespmem:$0x510]  }
0xd9: {  	v33 =	vadd.f32 v36, v33  }
0xda: {  	v36 =	vld [tilespmem:$0x520]  }
.Ltmp1:
0xdb: {  	v34 =	vadd.f32 v34, v33;
	(pc) =	sbr.rel @p0 .LBB2_1-.Ltmp1, $4  }
0xdc: {  	v33 =	vld [tilespmem:$0x530]  }
0xdd: {  	v35 =	vadd.f32 v35, v34  }
0xde: {  	v34 =	vld [tilespmem:$0x540]  }
0xdf: {  	v35 =	vadd.f32 v36, v35  }
.LBB2_2:
0xe0: {  	_ = 	snop  }
0xe1: {  	v0 =	vadd.f32 v33, v35  }
0xe2: {  	v1 =	vld [tilespmem:$0x560]  }
0xe3: {  	v0 =	vadd.f32 v34, v0  }
0xe4: {  	v2 =	vld [tilespmem:$0x570]  }
0xe5: {  	v0 =	vadd.f32 v32, v0  }
0xe6: {  	v3 =	vld [tilespmem:$0x580]  }
0xe7: {  	v0 =	vadd.f32 v1, v0  }
0xe8: {  	v57 =	vld [tilespmem:$0x590]  }
0xe9: {  	v0 =	vadd.f32 v2, v0  }
0xea: {  	v58 =	vld [tilespmem:$0x5A0]  }
0xeb: {  	v0 =	vadd.f32 v3, v0  }
0xec: {  	v59 =	vld [tilespmem:$0x5B0]  }
0xed: {  	v0 =	vadd.f32 v57, v0  }
0xee: {  	v60 =	vld [tilespmem:$0x5C0]  }
0xef: {  	v0 =	vadd.f32 v58, v0  }
0xf0: {  	v61 =	vld [tilespmem:$0x5D0]  }
0xf1: {  	v0 =	vadd.f32 v59, v0  }
0xf2: {  	v62 =	vld [tilespmem:$0x5E0]  }
0xf3: {  	v0 =	vadd.f32 v60, v0  }
0xf4: {  	v63 =	vld [tilespmem:$0x5F0]  }
0xf5: {  	v0 =	vadd.f32 v61, v0;
	_ =	sdelay $0x1  }
0xf6: {  	v0 =	vadd.f32 v62, v0;
	_ =	sdelay $0x1  }
0xf7: {  	v0 =	vadd.f32 v63, v0;
	_ =	sdelay $0x1  }
0xf8: {  	[tilespmem:$0x600] =	vst v0  }
0xf9: {  	[hbm4b:s9+s2] =	stream.linear.scatter [tilespmem:s10], [sflag:$0x2], $0x80, $0x38;
	[tilespmem:$0x680] =	vst v63  }
0xfa: {  	_ =	swait.ge [sflag:s3], $0x80  }
0xfb: {  	[sflag:s3] =	ssyncset.done $0x0  }
0xfc: {  	[sflag:s3] =	ssyncadd.s32 $0xFFFFFF80  }
0xfd: {  	_ =	sfence.sel $0x180000  }
0xfe: {  	[bflag:$0x0] =	sbarrier.arrive $0xFFFF  }
0xff: {  	p0 =	sne.s32 s0, $0x0;
	_ =	strace $0x90000047  }
0x100: {  	s0 =	sadd.s32 @!p0 $0x100000, s1;
	[bflag:$0x2] =	sbarrier.arrive $0xFFFF  }
0x101: {  	[sflag:s0] =	ssyncadd.tile.s32 @!p0 $0x1;
	_ =	shalt  }
.Lfunc_end2:
_tile_overlayer_lowered:
.L_overlay_start_2:
0x102: {  	(tag) =	ssettag $0x2  }
0x103: {  	s0 =	rddreg [dreg:$0x0];
	s2 =	stileid.u32  }
0x104: {  	s1 =	rddreg [dreg:$0x1];
	p0 =	sne.s32 s2, $0x0  }
0x105: {  	s3 =	rddreg [dreg:$0x2];
	[bflag:$0x3] =	sbarrier.arrive $0xFFFF;
	s2 =	simm.s32 @!p0 $0x1C02  }
0x106: {  	[timem:s3], [sflag:s2] =	dma.local @!p0 [hbm:s0], s1  }
0x107: {  	s0 =	simm.s32 @!p0 $0x2  }
0x108: {  	_ =	swait.ge @!p0 [sflag:s0], s1  }
0x109: {  	s1 =	ssub.s32 @!p0 $0x0, s1;
	[sflag:s0] =	ssyncset.done @!p0 $0x0  }
0x10a: {  	[sflag:s0] =	ssyncadd.s32 @!p0 s1  }
0x10b: {  	[bflag:$0x3] =	sbarrier.arrive $0xFFFF  }
0x10c: {  	_ =	shalt  }

</sc_bundles>
